<compile_context>
chip_gen: v7x
topology: tpu7x:2x2x1
jax: 0.10.2.dev20260603
libtpu: 0.0.44.dev20260713+nightly
codegen_flags: <defaults>
</compile_context>

<pallas_src>
import functools

import jax
import jax.numpy as jnp
from jax import lax
from jax.experimental import pallas as pl
from jax.experimental.pallas import tpu as pltpu
from jax.experimental.pallas import tpu_sc as plsc

D = 64
DP = 128
B = 1024
T = 512
NC = 2
NS = 16
NW = NC * NS
N = B * T
R_PER_W = N // NW
CH = 256
NCHUNK = R_PER_W // CH
NBUF = 4
LOOK = 2
TP = T // CH
LANES = 16


def _emb_kernel(idx_hbm, table_hbm, pos_hbm, out_hbm,
                idx_v, pos_v, rows0, rows1, rows2, rows3, gsem, osem):
    rows = (rows0, rows1, rows2, rows3)
    wid = lax.axis_index("s") * NC + lax.axis_index("c")
    base = wid * R_PER_W
    pltpu.sync_copy(pos_hbm.at[:, pl.ds(0, D)], pos_v)
    pltpu.sync_copy(idx_hbm.at[pl.ds(base, R_PER_W)], idx_v)

    def issue(i, j):
        pltpu.async_copy(
            table_hbm.at[idx_v.at[pl.ds(i * CH, CH)]], rows[j], gsem.at[j]
        )

    def wait_gather(i, j):
        pltpu.make_async_copy(
            table_hbm.at[idx_v.at[pl.ds(i * CH, CH)]], rows[j], gsem.at[j]
        ).wait()

    def start_out(i, j):
        pltpu.async_copy(
            rows[j],
            out_hbm.at[pl.ds(base + i * CH, CH), pl.ds(0, D)],
            osem.at[j],
        )

    def wait_out(i, j):
        pltpu.make_async_copy(
            rows[j],
            out_hbm.at[pl.ds(base + i * CH, CH), pl.ds(0, D)],
            osem.at[j],
        ).wait()

    for i in range(LOOK):
        issue(i, i % NBUF)

    def group(g, carry):
        for j in range(NBUF):
            i = g * NBUF + j
            j2 = (j + LOOK) % NBUF

            @pl.when(i + LOOK < NCHUNK)
            def _issue_ahead():
                @pl.when(i + LOOK >= NBUF)
                def _wait_buf_free():
                    wait_out(i + LOOK - NBUF, j2)

                issue(i + LOOK, j2)

            wait_gather(i, j)
            po = (i % TP) * CH

            def row_body(r, c2):
                for c in range(D // LANES):
                    sl = pl.ds(c * LANES, LANES)
                    rows[j][r, sl] = rows[j][r, sl] + pos_v[po + r, sl]
                return c2

            lax.fori_loop(0, CH, row_body, 0)
            start_out(i, j)
        return carry

    lax.fori_loop(0, NCHUNK // NBUF, group, 0)

    for j in range(NBUF):
        wait_out(NCHUNK - NBUF + j, j)


def _flatten_idx_tc(x):
    blk = 64

    def body(x_ref, o_ref):
        o_ref[...] = x_ref[...].reshape(blk * T)

    return pl.pallas_call(
        body,
        grid=(B // blk,),
        in_specs=[pl.BlockSpec((blk, T), lambda i: (i, 0))],
        out_specs=pl.BlockSpec((blk * T,), lambda i: (i,)),
        out_shape=jax.ShapeDtypeStruct((N,), jnp.int32),
    )(x)


def kernel(inputs, table, pos):
    idx = _flatten_idx_tc(inputs.astype(jnp.int32))
    pos2d = jnp.pad(pos.reshape(T, D).astype(jnp.float32),
                    ((0, 0), (0, DP - D)))

    mesh = plsc.VectorSubcoreMesh(core_axis_name="c", subcore_axis_name="s")
    run = functools.partial(
        pl.kernel,
        mesh=mesh,
        compiler_params=pltpu.CompilerParams(use_tc_tiling_on_sc=False),
        out_type=jax.ShapeDtypeStruct((N, DP), jnp.float32),
        scratch_types=[
            pltpu.VMEM((R_PER_W,), jnp.int32),
            pltpu.VMEM((T, D), jnp.float32),
            pltpu.VMEM((CH, D), jnp.float32),
            pltpu.VMEM((CH, D), jnp.float32),
            pltpu.VMEM((CH, D), jnp.float32),
            pltpu.VMEM((CH, D), jnp.float32),
            pltpu.SemaphoreType.DMA((NBUF,)),
            pltpu.SemaphoreType.DMA((NBUF,)),
        ],
    )(_emb_kernel)
    out128 = run(idx, table, pos2d)
    return out128[:, :D].reshape(B, T, D)

# --- scband reference (transcript-rebuilt; emitter-appended) ---
"""Pipeline reference for scband-token-embedding-23398981829279 (READ-ONLY COPY).

The authoritative reference and input builder live on the scoring server;
editing this copy changes nothing except your own understanding.
"""

import jax, jax.numpy as jnp
import numpy as np

NUM_EMBED = 100000
EMBED_DIM = 64
MAX_LEN = 512
B = 1024
T = 512

def setup_inputs(seed: int = 0) -> dict:
    key = jax.random.key(seed)
    k_idx, k_tab = jax.random.split(key, 2)
    inputs = jax.random.randint(k_idx, (B, T), 0, NUM_EMBED, dtype=jnp.int64 if jax.config.jax_enable_x64 else jnp.int32)
    table = jax.random.normal(k_tab, (NUM_EMBED, EMBED_DIM), dtype=jnp.float32)
    pos = jnp.zeros((1, MAX_LEN, EMBED_DIM), dtype=jnp.float32)
    return {"inputs": inputs, "table": table, "pos": pos}

def reference(inputs, table, pos):
    # vec_embed = self.vec_matrix(inputs)  -> embedding gather
    b, t = inputs.shape
    vec_embed = jnp.take(table, inputs, axis=0)  # [B, T, D]
    x = vec_embed + pos[:, :t, :]
    # dropout is identity in eval / deterministic reference (p=0.01 disabled)
    return x

if __name__ == "__main__":
    import jax
    _d = setup_inputs()
    print(jax.jit(kernel)(*tuple(_d.values())))

</pallas_src>

<mosaic_0001>
#map = affine_map<(d0, d1) -> (0)>
#map1 = affine_map<(d0, d1) -> (0, 0)>
module attributes {stable_mosaic.version = 14 : i64} {
  func.func @_emb_kernel(%arg0: i32, %arg1: i32, %arg2: memref<524288xi32, #tpu.memory_space<hbm>>, %arg3: memref<100000x64xf32, #tpu.memory_space<hbm>>, %arg4: memref<512x128xf32, #tpu.memory_space<hbm>>, %arg5: memref<524288x128xf32, #tpu.memory_space<hbm>>, %arg6: memref<16384xi32, #tpu.memory_space<vmem>>, %arg7: memref<512x64xf32, #tpu.memory_space<vmem>>, %arg8: memref<256x64xf32, #tpu.memory_space<vmem>>, %arg9: memref<256x64xf32, #tpu.memory_space<vmem>>, %arg10: memref<256x64xf32, #tpu.memory_space<vmem>>, %arg11: memref<256x64xf32, #tpu.memory_space<vmem>>, %arg12: memref<4x!tpu.dma_semaphore, #tpu.memory_space<semaphore_mem>>, %arg13: memref<4x!tpu.dma_semaphore, #tpu.memory_space<semaphore_mem>>) attributes {dimension_semantics = [#tpu.dimension_semantics<core_parallel>, #tpu.dimension_semantics<subcore_parallel>], iteration_bounds = array<i64: 2, 16>, scalar_prefetch = 0 : i64, scratch_operands = 8 : i64, tpu.core_type = #tpu.core_type<sc_vector_subcore>, window_params = [{transform_indices = #map}, {transform_indices = #map1}, {transform_indices = #map1}, {transform_indices = #map1}]} {
    %mul3A = arith.constant 2 : i32
    %mul3A_0 = arith.muli %arg1, %mul3A : i32
    %add3A = arith.addi %mul3A_0, %arg0 : i32
    %mul3A_1 = arith.constant 16384 : i32
    %mul3A_2 = arith.muli %add3A, %mul3A_1 : i32
    "tpu.region"() ({
      %run_scoped3A = tpu.sem_alloc : memref<!tpu.dma_semaphore, #tpu.memory_space<semaphore_mem>>
      %dma_start3A_58 = arith.constant 0 : i32
      %dma_start3A_59 = arith.constant 0 : i32
      %dma_start3A_60 = tpu.memref_slice %arg4[%dma_start3A_58, %dma_start3A_59] : memref<512x128xf32, #tpu.memory_space<hbm>> -> memref<512x64xf32, #tpu.memory_space<hbm>>
      %dma_start3A_61 = arith.constant 0 : i32
      %dma_start3A_62 = arith.constant 0 : i32
      %dma_start3A_63 = tpu.memref_slice %arg4[%dma_start3A_61, %dma_start3A_62] : memref<512x128xf32, #tpu.memory_space<hbm>> -> memref<512x64xf32, #tpu.memory_space<hbm>>
      tpu.enqueue_dma source(%dma_start3A_63 : memref<512x64xf32, #tpu.memory_space<hbm>>) target(%arg7 : memref<512x64xf32, #tpu.memory_space<vmem>>) target_semaphore(%run_scoped3A : memref<!tpu.dma_semaphore, #tpu.memory_space<semaphore_mem>>)
      %dma_wait3A_64 = arith.constant 0 : i32
      %dma_wait3A_65 = arith.constant 0 : i32
      %dma_wait3A_66 = tpu.memref_slice %arg4[%dma_wait3A_64, %dma_wait3A_65] : memref<512x128xf32, #tpu.memory_space<hbm>> -> memref<512x64xf32, #tpu.memory_space<hbm>>
      %dma_wait3A_67 = arith.constant 0 : i32
      %dma_wait3A_68 = arith.constant 0 : i32
      %dma_wait3A_69 = tpu.memref_slice %arg4[%dma_wait3A_67, %dma_wait3A_68] : memref<512x128xf32, #tpu.memory_space<hbm>> -> memref<512x64xf32, #tpu.memory_space<hbm>>
      tpu.wait_dma2 semaphore(%run_scoped3A : memref<!tpu.dma_semaphore, #tpu.memory_space<semaphore_mem>>) src(%dma_wait3A_69 : memref<512x64xf32, #tpu.memory_space<hbm>>) dst(%arg7 : memref<512x64xf32, #tpu.memory_space<vmem>>)
      tpu.yield
    }) : () -> ()
    "tpu.region"() ({
      %run_scoped3A = tpu.sem_alloc : memref<!tpu.dma_semaphore, #tpu.memory_space<semaphore_mem>>
      %dma_start3A_58 = tpu.memref_slice %arg2[%mul3A_2] : memref<524288xi32, #tpu.memory_space<hbm>> -> memref<16384xi32, #tpu.memory_space<hbm>>
      %dma_start3A_59 = tpu.memref_slice %arg2[%mul3A_2] : memref<524288xi32, #tpu.memory_space<hbm>> -> memref<16384xi32, #tpu.memory_space<hbm>>
      tpu.enqueue_dma source(%dma_start3A_59 : memref<16384xi32, #tpu.memory_space<hbm>>) target(%arg6 : memref<16384xi32, #tpu.memory_space<vmem>>) target_semaphore(%run_scoped3A : memref<!tpu.dma_semaphore, #tpu.memory_space<semaphore_mem>>)
      %dma_wait3A_60 = tpu.memref_slice %arg2[%mul3A_2] : memref<524288xi32, #tpu.memory_space<hbm>> -> memref<16384xi32, #tpu.memory_space<hbm>>
      %dma_wait3A_61 = tpu.memref_slice %arg2[%mul3A_2] : memref<524288xi32, #tpu.memory_space<hbm>> -> memref<16384xi32, #tpu.memory_space<hbm>>
      tpu.wait_dma2 semaphore(%run_scoped3A : memref<!tpu.dma_semaphore, #tpu.memory_space<semaphore_mem>>) src(%dma_wait3A_61 : memref<16384xi32, #tpu.memory_space<hbm>>) dst(%arg6 : memref<16384xi32, #tpu.memory_space<vmem>>)
      tpu.yield
    }) : () -> ()
    %dma_start3A = arith.constant 0 : i32
    %dma_start3A_3 = arith.constant 0 : i32
    %dma_start3A_4 = tpu.memref_slice %arg6[%dma_start3A_3] : memref<16384xi32, #tpu.memory_space<vmem>> -> memref<256xi32, #tpu.memory_space<vmem>>
    %dma_start3A_5 = arith.constant 0 : i32
    %dma_start3A_6 = arith.constant 0 : i32
    %dma_start3A_7 = tpu.memref_slice %arg3[%dma_start3A_5, %dma_start3A_6] : memref<100000x64xf32, #tpu.memory_space<hbm>> -> memref<100000x64xf32, #tpu.memory_space<hbm>>
    %dma_start3A_8 = tpu.memref_slice %arg12[%dma_start3A] : memref<4x!tpu.dma_semaphore, #tpu.memory_space<semaphore_mem>> -> memref<1x!tpu.dma_semaphore, #tpu.memory_space<semaphore_mem>>
    %dma_start3A_9 = tpu.memref_squeeze %dma_start3A_8 : memref<1x!tpu.dma_semaphore, #tpu.memory_space<semaphore_mem>> -> memref<!tpu.dma_semaphore, #tpu.memory_space<semaphore_mem>>
    tpu.enqueue_indirect_dma source(%dma_start3A_7 : memref<100000x64xf32, #tpu.memory_space<hbm>>) target(%arg8 : memref<256x64xf32, #tpu.memory_space<vmem>>) offsets(%dma_start3A_4 : memref<256xi32, #tpu.memory_space<vmem>>) semaphore(%dma_start3A_9 : memref<!tpu.dma_semaphore, #tpu.memory_space<semaphore_mem>>)
    %dma_start3A_10 = arith.constant 1 : i32
    %dma_start3A_11 = arith.constant 256 : i32
    %dma_start3A_12 = tpu.memref_slice %arg6[%dma_start3A_11] : memref<16384xi32, #tpu.memory_space<vmem>> -> memref<256xi32, #tpu.memory_space<vmem>>
    %dma_start3A_13 = arith.constant 0 : i32
    %dma_start3A_14 = arith.constant 0 : i32
    %dma_start3A_15 = tpu.memref_slice %arg3[%dma_start3A_13, %dma_start3A_14] : memref<100000x64xf32, #tpu.memory_space<hbm>> -> memref<100000x64xf32, #tpu.memory_space<hbm>>
    %dma_start3A_16 = tpu.memref_slice %arg12[%dma_start3A_10] : memref<4x!tpu.dma_semaphore, #tpu.memory_space<semaphore_mem>> -> memref<1x!tpu.dma_semaphore, #tpu.memory_space<semaphore_mem>>
    %dma_start3A_17 = tpu.memref_squeeze %dma_start3A_16 : memref<1x!tpu.dma_semaphore, #tpu.memory_space<semaphore_mem>> -> memref<!tpu.dma_semaphore, #tpu.memory_space<semaphore_mem>>
    tpu.enqueue_indirect_dma source(%dma_start3A_15 : memref<100000x64xf32, #tpu.memory_space<hbm>>) target(%arg9 : memref<256x64xf32, #tpu.memory_space<vmem>>) offsets(%dma_start3A_12 : memref<256xi32, #tpu.memory_space<vmem>>) semaphore(%dma_start3A_17 : memref<!tpu.dma_semaphore, #tpu.memory_space<semaphore_mem>>)
    %scan3A = arith.constant 0 : i32
    %scan3A_18 = arith.constant 0 : i32
    %scan3A_19 = arith.constant 16 : i32
    %scan3A_20 = arith.addi %scan3A_18, %scan3A_19 : i32
    %scan3A_21 = arith.constant 1 : i32
    scf.for %scan3A_58 = %scan3A_18 to %scan3A_20 step %scan3A_21  : i32 {
      %mul3A_59 = arith.constant 4 : i32
      %mul3A_60 = arith.muli %scan3A_58, %mul3A_59 : i32
      %add3A_61 = arith.constant 0 : i32
      %add3A_62 = arith.addi %mul3A_60, %add3A_61 : i32
      %add3A_63 = arith.constant 2 : i32
      %add3A_64 = arith.addi %add3A_62, %add3A_63 : i32
      %lt3A = arith.constant 64 : i32
      %lt3A_65 = arith.cmpi slt, %add3A_64, %lt3A : i32
      %convert_element_type3A = arith.extui %lt3A_65 : i1 to i32
      %cond3A = arith.constant 0 : i32
      %cond3A_66 = arith.cmpi ne, %convert_element_type3A, %cond3A : i32
      scf.if %cond3A_66 {
        %add3A_266 = arith.constant 2 : i32
        %add3A_267 = arith.addi %add3A_62, %add3A_266 : i32
        %ge3A = arith.constant 4 : i32
        %ge3A_268 = arith.cmpi sge, %add3A_267, %ge3A : i32
        %convert_element_type3A_269 = arith.extui %ge3A_268 : i1 to i32
        %cond3A_270 = arith.constant 0 : i32
        %cond3A_271 = arith.cmpi ne, %convert_element_type3A_269, %cond3A_270 : i32
        scf.if %cond3A_271 {
          %add3A_283 = arith.constant 2 : i32
          %add3A_284 = arith.addi %add3A_62, %add3A_283 : i32
          %sub3A = arith.constant 4 : i32
          %sub3A_285 = arith.subi %add3A_284, %sub3A : i32
          %mul3A_286 = arith.constant 256 : i32
          %mul3A_287 = arith.muli %sub3A_285, %mul3A_286 : i32
          %add3A_288 = arith.addi %mul3A_2, %mul3A_287 : i32
          %dma_wait3A_289 = arith.constant 2 : i32
          %dma_wait3A_290 = arith.constant 0 : i32
          %dma_wait3A_291 = tpu.memref_slice %arg5[%add3A_288, %dma_wait3A_290] : memref<524288x128xf32, #tpu.memory_space<hbm>> -> memref<256x64xf32, #tpu.memory_space<hbm>>
          %dma_wait3A_292 = tpu.memref_slice %arg13[%dma_wait3A_289] : memref<4x!tpu.dma_semaphore, #tpu.memory_space<semaphore_mem>> -> memref<1x!tpu.dma_semaphore, #tpu.memory_space<semaphore_mem>>
          %dma_wait3A_293 = tpu.memref_squeeze %dma_wait3A_292 : memref<1x!tpu.dma_semaphore, #tpu.memory_space<semaphore_mem>> -> memref<!tpu.dma_semaphore, #tpu.memory_space<semaphore_mem>>
          %dma_wait3A_294 = arith.constant 0 : i32
          %dma_wait3A_295 = tpu.memref_slice %arg5[%add3A_288, %dma_wait3A_294] : memref<524288x128xf32, #tpu.memory_space<hbm>> -> memref<256x64xf32, #tpu.memory_space<hbm>>
          tpu.wait_dma2 semaphore(%dma_wait3A_293 : memref<!tpu.dma_semaphore, #tpu.memory_space<semaphore_mem>>) src(%arg10 : memref<256x64xf32, #tpu.memory_space<vmem>>) dst(%dma_wait3A_295 : memref<256x64xf32, #tpu.memory_space<hbm>>)
        } else {
        }
        %add3A_272 = arith.constant 2 : i32
        %add3A_273 = arith.addi %add3A_62, %add3A_272 : i32
        %mul3A_274 = arith.constant 256 : i32
        %mul3A_275 = arith.muli %add3A_273, %mul3A_274 : i32
        %dma_start3A_276 = arith.constant 2 : i32
        %dma_start3A_277 = tpu.memref_slice %arg6[%mul3A_275] : memref<16384xi32, #tpu.memory_space<vmem>> -> memref<256xi32, #tpu.memory_space<vmem>>
        %dma_start3A_278 = arith.constant 0 : i32
        %dma_start3A_279 = arith.constant 0 : i32
        %dma_start3A_280 = tpu.memref_slice %arg3[%dma_start3A_278, %dma_start3A_279] : memref<100000x64xf32, #tpu.memory_space<hbm>> -> memref<100000x64xf32, #tpu.memory_space<hbm>>
        %dma_start3A_281 = tpu.memref_slice %arg12[%dma_start3A_276] : memref<4x!tpu.dma_semaphore, #tpu.memory_space<semaphore_mem>> -> memref<1x!tpu.dma_semaphore, #tpu.memory_space<semaphore_mem>>
        %dma_start3A_282 = tpu.memref_squeeze %dma_start3A_281 : memref<1x!tpu.dma_semaphore, #tpu.memory_space<semaphore_mem>> -> memref<!tpu.dma_semaphore, #tpu.memory_space<semaphore_mem>>
        tpu.enqueue_indirect_dma source(%dma_start3A_280 : memref<100000x64xf32, #tpu.memory_space<hbm>>) target(%arg10 : memref<256x64xf32, #tpu.memory_space<vmem>>) offsets(%dma_start3A_277 : memref<256xi32, #tpu.memory_space<vmem>>) semaphore(%dma_start3A_282 : memref<!tpu.dma_semaphore, #tpu.memory_space<semaphore_mem>>)
      } else {
      }
      %mul3A_67 = arith.constant 256 : i32
      %mul3A_68 = arith.muli %add3A_62, %mul3A_67 : i32
      %dma_wait3A_69 = arith.constant 0 : i32
      %dma_wait3A_70 = tpu.memref_slice %arg6[%mul3A_68] : memref<16384xi32, #tpu.memory_space<vmem>> -> memref<256xi32, #tpu.memory_space<vmem>>
      %dma_wait3A_71 = arith.constant 0 : i32
      %dma_wait3A_72 = arith.constant 0 : i32
      %dma_wait3A_73 = tpu.memref_slice %arg3[%dma_wait3A_71, %dma_wait3A_72] : memref<100000x64xf32, #tpu.memory_space<hbm>> -> memref<100000x64xf32, #tpu.memory_space<hbm>>
      %dma_wait3A_74 = tpu.memref_slice %arg12[%dma_wait3A_69] : memref<4x!tpu.dma_semaphore, #tpu.memory_space<semaphore_mem>> -> memref<1x!tpu.dma_semaphore, #tpu.memory_space<semaphore_mem>>
      %dma_wait3A_75 = tpu.memref_squeeze %dma_wait3A_74 : memref<1x!tpu.dma_semaphore, #tpu.memory_space<semaphore_mem>> -> memref<!tpu.dma_semaphore, #tpu.memory_space<semaphore_mem>>
      tpu.wait_indirect_dma semaphore(%dma_wait3A_75 : memref<!tpu.dma_semaphore, #tpu.memory_space<semaphore_mem>>) src(%dma_wait3A_73 : memref<100000x64xf32, #tpu.memory_space<hbm>>) dst(%arg8 : memref<256x64xf32, #tpu.memory_space<vmem>>)
      %jit3A = arith.constant 2 : i32
      %eq3A = arith.constant 0 : i32
      %eq3A_76 = arith.cmpi eq, %jit3A, %eq3A : i32
      %jit3A_77 = arith.constant 1 : i32
      %select_n3A = arith.select %eq3A_76, %jit3A_77, %jit3A : i32
      %rem3A = arith.remsi %add3A_62, %select_n3A : i32
      %ne3A = arith.constant 0 : i32
      %ne3A_78 = arith.cmpi ne, %rem3A, %ne3A : i32
      %lt3A_79 = arith.constant 0 : i32
      %lt3A_80 = arith.cmpi slt, %rem3A, %lt3A_79 : i32
      %lt3A_81 = arith.constant 0 : i32
      %lt3A_82 = arith.cmpi slt, %select_n3A, %lt3A_81 : i32
      %ne3A_83 = arith.xori %lt3A_80, %lt3A_82 : i1
      %and3A = arith.andi %ne3A_83, %ne3A_78 : i1
      %add3A_84 = arith.addi %rem3A, %select_n3A : i32
      %select_n3A_85 = arith.select %and3A, %add3A_84, %rem3A : i32
      %mul3A_86 = arith.constant 256 : i32
      %mul3A_87 = arith.muli %select_n3A_85, %mul3A_86 : i32
      %scan3A_88 = arith.constant 0 : i32
      %scan3A_89 = arith.constant 0 : i32
      %scan3A_90 = arith.constant 256 : i32
      %scan3A_91 = arith.addi %scan3A_89, %scan3A_90 : i32
      %scan3A_92 = arith.constant 1 : i32
      scf.for %scan3A_266 = %scan3A_89 to %scan3A_91 step %scan3A_92  : i32 {
        %get3A = arith.index_cast %scan3A_266 : i32 to index
        %get3A_267 = arith.constant 0 : index
        %get3A_268 = tpu.vector_load %arg8[%get3A, %get3A_267] {strides = array<i32>} : memref<256x64xf32, #tpu.memory_space<vmem>>, vector<1x16xf32>,
        %get3A_269 = vector.shape_cast %get3A_268 : vector<1x16xf32> to vector<16xf32>
        %add3A_270 = arith.addi %mul3A_87, %scan3A_266 : i32
        %get3A_271 = arith.index_cast %add3A_270 : i32 to index
        %get3A_272 = arith.constant 0 : index
        %get3A_273 = tpu.vector_load %arg7[%get3A_271, %get3A_272] {strides = array<i32>} : memref<512x64xf32, #tpu.memory_space<vmem>>, vector<1x16xf32>,
        %get3A_274 = vector.shape_cast %get3A_273 : vector<1x16xf32> to vector<16xf32>
        %add3A_275 = arith.addf %get3A_269, %get3A_274 : vector<16xf32>
        %swap3A = arith.index_cast %scan3A_266 : i32 to index
        %swap3A_276 = arith.constant 0 : index
        %swap3A_277 = tpu.vector_load %arg8[%swap3A, %swap3A_276] {strides = array<i32>} : memref<256x64xf32, #tpu.memory_space<vmem>>, vector<1x16xf32>,
        %swap3A_278 = vector.shape_cast %swap3A_277 : vector<1x16xf32> to vector<16xf32>
        %swap3A_279 = vector.shape_cast %add3A_275 : vector<16xf32> to vector<1x16xf32>
        tpu.vector_store %arg8[%swap3A, %swap3A_276], %swap3A_279 {strides = array<i32>} : memref<256x64xf32, #tpu.memory_space<vmem>>, vector<1x16xf32>,
        %get3A_280 = arith.index_cast %scan3A_266 : i32 to index
        %get3A_281 = arith.constant 16 : index
        %get3A_282 = tpu.vector_load %arg8[%get3A_280, %get3A_281] {strides = array<i32>} : memref<256x64xf32, #tpu.memory_space<vmem>>, vector<1x16xf32>,
        %get3A_283 = vector.shape_cast %get3A_282 : vector<1x16xf32> to vector<16xf32>
        %add3A_284 = arith.addi %mul3A_87, %scan3A_266 : i32
        %get3A_285 = arith.index_cast %add3A_284 : i32 to index
        %get3A_286 = arith.constant 16 : index
        %get3A_287 = tpu.vector_load %arg7[%get3A_285, %get3A_286] {strides = array<i32>} : memref<512x64xf32, #tpu.memory_space<vmem>>, vector<1x16xf32>,
        %get3A_288 = vector.shape_cast %get3A_287 : vector<1x16xf32> to vector<16xf32>
        %add3A_289 = arith.addf %get3A_283, %get3A_288 : vector<16xf32>
        %swap3A_290 = arith.index_cast %scan3A_266 : i32 to index
        %swap3A_291 = arith.constant 16 : index
        %swap3A_292 = tpu.vector_load %arg8[%swap3A_290, %swap3A_291] {strides = array<i32>} : memref<256x64xf32, #tpu.memory_space<vmem>>, vector<1x16xf32>,
        %swap3A_293 = vector.shape_cast %swap3A_292 : vector<1x16xf32> to vector<16xf32>
        %swap3A_294 = vector.shape_cast %add3A_289 : vector<16xf32> to vector<1x16xf32>
        tpu.vector_store %arg8[%swap3A_290, %swap3A_291], %swap3A_294 {strides = array<i32>} : memref<256x64xf32, #tpu.memory_space<vmem>>, vector<1x16xf32>,
        %get3A_295 = arith.index_cast %scan3A_266 : i32 to index
        %get3A_296 = arith.constant 32 : index
        %get3A_297 = tpu.vector_load %arg8[%get3A_295, %get3A_296] {strides = array<i32>} : memref<256x64xf32, #tpu.memory_space<vmem>>, vector<1x16xf32>,
        %get3A_298 = vector.shape_cast %get3A_297 : vector<1x16xf32> to vector<16xf32>
        %add3A_299 = arith.addi %mul3A_87, %scan3A_266 : i32
        %get3A_300 = arith.index_cast %add3A_299 : i32 to index
        %get3A_301 = arith.constant 32 : index
        %get3A_302 = tpu.vector_load %arg7[%get3A_300, %get3A_301] {strides = array<i32>} : memref<512x64xf32, #tpu.memory_space<vmem>>, vector<1x16xf32>,
        %get3A_303 = vector.shape_cast %get3A_302 : vector<1x16xf32> to vector<16xf32>
        %add3A_304 = arith.addf %get3A_298, %get3A_303 : vector<16xf32>
        %swap3A_305 = arith.index_cast %scan3A_266 : i32 to index
        %swap3A_306 = arith.constant 32 : index
        %swap3A_307 = tpu.vector_load %arg8[%swap3A_305, %swap3A_306] {strides = array<i32>} : memref<256x64xf32, #tpu.memory_space<vmem>>, vector<1x16xf32>,
        %swap3A_308 = vector.shape_cast %swap3A_307 : vector<1x16xf32> to vector<16xf32>
        %swap3A_309 = vector.shape_cast %add3A_304 : vector<16xf32> to vector<1x16xf32>
        tpu.vector_store %arg8[%swap3A_305, %swap3A_306], %swap3A_309 {strides = array<i32>} : memref<256x64xf32, #tpu.memory_space<vmem>>, vector<1x16xf32>,
        %get3A_310 = arith.index_cast %scan3A_266 : i32 to index
        %get3A_311 = arith.constant 48 : index
        %get3A_312 = tpu.vector_load %arg8[%get3A_310, %get3A_311] {strides = array<i32>} : memref<256x64xf32, #tpu.memory_space<vmem>>, vector<1x16xf32>,
        %get3A_313 = vector.shape_cast %get3A_312 : vector<1x16xf32> to vector<16xf32>
        %add3A_314 = arith.addi %mul3A_87, %scan3A_266 : i32
        %get3A_315 = arith.index_cast %add3A_314 : i32 to index
        %get3A_316 = arith.constant 48 : index
        %get3A_317 = tpu.vector_load %arg7[%get3A_315, %get3A_316] {strides = array<i32>} : memref<512x64xf32, #tpu.memory_space<vmem>>, vector<1x16xf32>,
        %get3A_318 = vector.shape_cast %get3A_317 : vector<1x16xf32> to vector<16xf32>
        %add3A_319 = arith.addf %get3A_313, %get3A_318 : vector<16xf32>
        %swap3A_320 = arith.index_cast %scan3A_266 : i32 to index
        %swap3A_321 = arith.constant 48 : index
        %swap3A_322 = tpu.vector_load %arg8[%swap3A_320, %swap3A_321] {strides = array<i32>} : memref<256x64xf32, #tpu.memory_space<vmem>>, vector<1x16xf32>,
        %swap3A_323 = vector.shape_cast %swap3A_322 : vector<1x16xf32> to vector<16xf32>
        %swap3A_324 = vector.shape_cast %add3A_319 : vector<16xf32> to vector<1x16xf32>
        tpu.vector_store %arg8[%swap3A_320, %swap3A_321], %swap3A_324 {strides = array<i32>} : memref<256x64xf32, #tpu.memory_space<vmem>>, vector<1x16xf32>,
      }
      %scan3A_93 = arith.constant 256 : i32
      %mul3A_94 = arith.constant 256 : i32
      %mul3A_95 = arith.muli %add3A_62, %mul3A_94 : i32
      %add3A_96 = arith.addi %mul3A_2, %mul3A_95 : i32
      %dma_start3A_97 = arith.constant 0 : i32
      %dma_start3A_98 = arith.constant 0 : i32
      %dma_start3A_99 = tpu.memref_slice %arg5[%add3A_96, %dma_start3A_98] : memref<524288x128xf32, #tpu.memory_space<hbm>> -> memref<256x64xf32, #tpu.memory_space<hbm>>
      %dma_start3A_100 = tpu.memref_slice %arg13[%dma_start3A_97] : memref<4x!tpu.dma_semaphore, #tpu.memory_space<semaphore_mem>> -> memref<1x!tpu.dma_semaphore, #tpu.memory_space<semaphore_mem>>
      %dma_start3A_101 = tpu.memref_squeeze %dma_start3A_100 : memref<1x!tpu.dma_semaphore, #tpu.memory_space<semaphore_mem>> -> memref<!tpu.dma_semaphore, #tpu.memory_space<semaphore_mem>>
      %dma_start3A_102 = arith.constant 0 : i32
      %dma_start3A_103 = tpu.memref_slice %arg5[%add3A_96, %dma_start3A_102] : memref<524288x128xf32, #tpu.memory_space<hbm>> -> memref<256x64xf32, #tpu.memory_space<hbm>>
      tpu.enqueue_dma source(%arg8 : memref<256x64xf32, #tpu.memory_space<vmem>>) target(%dma_start3A_103 : memref<256x64xf32, #tpu.memory_space<hbm>>) target_semaphore(%dma_start3A_101 : memref<!tpu.dma_semaphore, #tpu.memory_space<semaphore_mem>>)
      %mul3A_104 = arith.constant 4 : i32
      %mul3A_105 = arith.muli %scan3A_58, %mul3A_104 : i32
      %add3A_106 = arith.constant 1 : i32
      %add3A_107 = arith.addi %mul3A_105, %add3A_106 : i32
      %add3A_108 = arith.constant 2 : i32
      %add3A_109 = arith.addi %add3A_107, %add3A_108 : i32
      %lt3A_110 = arith.constant 64 : i32
      %lt3A_111 = arith.cmpi slt, %add3A_109, %lt3A_110 : i32
      %convert_element_type3A_112 = arith.extui %lt3A_111 : i1 to i32
      %cond3A_113 = arith.constant 0 : i32
      %cond3A_114 = arith.cmpi ne, %convert_element_type3A_112, %cond3A_113 : i32
      scf.if %cond3A_114 {
        %add3A_266 = arith.constant 2 : i32
        %add3A_267 = arith.addi %add3A_107, %add3A_266 : i32
        %ge3A = arith.constant 4 : i32
        %ge3A_268 = arith.cmpi sge, %add3A_267, %ge3A : i32
        %convert_element_type3A_269 = arith.extui %ge3A_268 : i1 to i32
        %cond3A_270 = arith.constant 0 : i32
        %cond3A_271 = arith.cmpi ne, %convert_element_type3A_269, %cond3A_270 : i32
        scf.if %cond3A_271 {
          %add3A_283 = arith.constant 2 : i32
          %add3A_284 = arith.addi %add3A_107, %add3A_283 : i32
          %sub3A = arith.constant 4 : i32
          %sub3A_285 = arith.subi %add3A_284, %sub3A : i32
          %mul3A_286 = arith.constant 256 : i32
          %mul3A_287 = arith.muli %sub3A_285, %mul3A_286 : i32
          %add3A_288 = arith.addi %mul3A_2, %mul3A_287 : i32
          %dma_wait3A_289 = arith.constant 3 : i32
          %dma_wait3A_290 = arith.constant 0 : i32
          %dma_wait3A_291 = tpu.memref_slice %arg5[%add3A_288, %dma_wait3A_290] : memref<524288x128xf32, #tpu.memory_space<hbm>> -> memref<256x64xf32, #tpu.memory_space<hbm>>
          %dma_wait3A_292 = tpu.memref_slice %arg13[%dma_wait3A_289] : memref<4x!tpu.dma_semaphore, #tpu.memory_space<semaphore_mem>> -> memref<1x!tpu.dma_semaphore, #tpu.memory_space<semaphore_mem>>
          %dma_wait3A_293 = tpu.memref_squeeze %dma_wait3A_292 : memref<1x!tpu.dma_semaphore, #tpu.memory_space<semaphore_mem>> -> memref<!tpu.dma_semaphore, #tpu.memory_space<semaphore_mem>>
          %dma_wait3A_294 = arith.constant 0 : i32
          %dma_wait3A_295 = tpu.memref_slice %arg5[%add3A_288, %dma_wait3A_294] : memref<524288x128xf32, #tpu.memory_space<hbm>> -> memref<256x64xf32, #tpu.memory_space<hbm>>
          tpu.wait_dma2 semaphore(%dma_wait3A_293 : memref<!tpu.dma_semaphore, #tpu.memory_space<semaphore_mem>>) src(%arg11 : memref<256x64xf32, #tpu.memory_space<vmem>>) dst(%dma_wait3A_295 : memref<256x64xf32, #tpu.memory_space<hbm>>)
        } else {
        }
        %add3A_272 = arith.constant 2 : i32
        %add3A_273 = arith.addi %add3A_107, %add3A_272 : i32
        %mul3A_274 = arith.constant 256 : i32
        %mul3A_275 = arith.muli %add3A_273, %mul3A_274 : i32
        %dma_start3A_276 = arith.constant 3 : i32
        %dma_start3A_277 = tpu.memref_slice %arg6[%mul3A_275] : memref<16384xi32, #tpu.memory_space<vmem>> -> memref<256xi32, #tpu.memory_space<vmem>>
        %dma_start3A_278 = arith.constant 0 : i32
        %dma_start3A_279 = arith.constant 0 : i32
        %dma_start3A_280 = tpu.memref_slice %arg3[%dma_start3A_278, %dma_start3A_279] : memref<100000x64xf32, #tpu.memory_space<hbm>> -> memref<100000x64xf32, #tpu.memory_space<hbm>>
        %dma_start3A_281 = tpu.memref_slice %arg12[%dma_start3A_276] : memref<4x!tpu.dma_semaphore, #tpu.memory_space<semaphore_mem>> -> memref<1x!tpu.dma_semaphore, #tpu.memory_space<semaphore_mem>>
        %dma_start3A_282 = tpu.memref_squeeze %dma_start3A_281 : memref<1x!tpu.dma_semaphore, #tpu.memory_space<semaphore_mem>> -> memref<!tpu.dma_semaphore, #tpu.memory_space<semaphore_mem>>
        tpu.enqueue_indirect_dma source(%dma_start3A_280 : memref<100000x64xf32, #tpu.memory_space<hbm>>) target(%arg11 : memref<256x64xf32, #tpu.memory_space<vmem>>) offsets(%dma_start3A_277 : memref<256xi32, #tpu.memory_space<vmem>>) semaphore(%dma_start3A_282 : memref<!tpu.dma_semaphore, #tpu.memory_space<semaphore_mem>>)
      } else {
      }
      %mul3A_115 = arith.constant 256 : i32
      %mul3A_116 = arith.muli %add3A_107, %mul3A_115 : i32
      %dma_wait3A_117 = arith.constant 1 : i32
      %dma_wait3A_118 = tpu.memref_slice %arg6[%mul3A_116] : memref<16384xi32, #tpu.memory_space<vmem>> -> memref<256xi32, #tpu.memory_space<vmem>>
      %dma_wait3A_119 = arith.constant 0 : i32
      %dma_wait3A_120 = arith.constant 0 : i32
      %dma_wait3A_121 = tpu.memref_slice %arg3[%dma_wait3A_119, %dma_wait3A_120] : memref<100000x64xf32, #tpu.memory_space<hbm>> -> memref<100000x64xf32, #tpu.memory_space<hbm>>
      %dma_wait3A_122 = tpu.memref_slice %arg12[%dma_wait3A_117] : memref<4x!tpu.dma_semaphore, #tpu.memory_space<semaphore_mem>> -> memref<1x!tpu.dma_semaphore, #tpu.memory_space<semaphore_mem>>
      %dma_wait3A_123 = tpu.memref_squeeze %dma_wait3A_122 : memref<1x!tpu.dma_semaphore, #tpu.memory_space<semaphore_mem>> -> memref<!tpu.dma_semaphore, #tpu.memory_space<semaphore_mem>>
      tpu.wait_indirect_dma semaphore(%dma_wait3A_123 : memref<!tpu.dma_semaphore, #tpu.memory_space<semaphore_mem>>) src(%dma_wait3A_121 : memref<100000x64xf32, #tpu.memory_space<hbm>>) dst(%arg9 : memref<256x64xf32, #tpu.memory_space<vmem>>)
      %jit3A_124 = arith.constant 2 : i32
      %eq3A_125 = arith.constant 0 : i32
      %eq3A_126 = arith.cmpi eq, %jit3A_124, %eq3A_125 : i32
      %jit3A_127 = arith.constant 1 : i32
      %select_n3A_128 = arith.select %eq3A_126, %jit3A_127, %jit3A_124 : i32
      %rem3A_129 = arith.remsi %add3A_107, %select_n3A_128 : i32
      %ne3A_130 = arith.constant 0 : i32
      %ne3A_131 = arith.cmpi ne, %rem3A_129, %ne3A_130 : i32
      %lt3A_132 = arith.constant 0 : i32
      %lt3A_133 = arith.cmpi slt, %rem3A_129, %lt3A_132 : i32
      %lt3A_134 = arith.constant 0 : i32
      %lt3A_135 = arith.cmpi slt, %select_n3A_128, %lt3A_134 : i32
      %ne3A_136 = arith.xori %lt3A_133, %lt3A_135 : i1
      %and3A_137 = arith.andi %ne3A_136, %ne3A_131 : i1
      %add3A_138 = arith.addi %rem3A_129, %select_n3A_128 : i32
      %select_n3A_139 = arith.select %and3A_137, %add3A_138, %rem3A_129 : i32
      %mul3A_140 = arith.constant 256 : i32
      %mul3A_141 = arith.muli %select_n3A_139, %mul3A_140 : i32
      %scan3A_142 = arith.constant 0 : i32
      %scan3A_143 = arith.constant 0 : i32
      %scan3A_144 = arith.constant 256 : i32
      %scan3A_145 = arith.addi %scan3A_143, %scan3A_144 : i32
      %scan3A_146 = arith.constant 1 : i32
      scf.for %scan3A_266 = %scan3A_143 to %scan3A_145 step %scan3A_146  : i32 {
        %get3A = arith.index_cast %scan3A_266 : i32 to index
        %get3A_267 = arith.constant 0 : index
        %get3A_268 = tpu.vector_load %arg9[%get3A, %get3A_267] {strides = array<i32>} : memref<256x64xf32, #tpu.memory_space<vmem>>, vector<1x16xf32>,
        %get3A_269 = vector.shape_cast %get3A_268 : vector<1x16xf32> to vector<16xf32>
        %add3A_270 = arith.addi %mul3A_141, %scan3A_266 : i32
        %get3A_271 = arith.index_cast %add3A_270 : i32 to index
        %get3A_272 = arith.constant 0 : index
        %get3A_273 = tpu.vector_load %arg7[%get3A_271, %get3A_272] {strides = array<i32>} : memref<512x64xf32, #tpu.memory_space<vmem>>, vector<1x16xf32>,
        %get3A_274 = vector.shape_cast %get3A_273 : vector<1x16xf32> to vector<16xf32>
        %add3A_275 = arith.addf %get3A_269, %get3A_274 : vector<16xf32>
        %swap3A = arith.index_cast %scan3A_266 : i32 to index
        %swap3A_276 = arith.constant 0 : index
        %swap3A_277 = tpu.vector_load %arg9[%swap3A, %swap3A_276] {strides = array<i32>} : memref<256x64xf32, #tpu.memory_space<vmem>>, vector<1x16xf32>,
        %swap3A_278 = vector.shape_cast %swap3A_277 : vector<1x16xf32> to vector<16xf32>
        %swap3A_279 = vector.shape_cast %add3A_275 : vector<16xf32> to vector<1x16xf32>
        tpu.vector_store %arg9[%swap3A, %swap3A_276], %swap3A_279 {strides = array<i32>} : memref<256x64xf32, #tpu.memory_space<vmem>>, vector<1x16xf32>,
        %get3A_280 = arith.index_cast %scan3A_266 : i32 to index
        %get3A_281 = arith.constant 16 : index
        %get3A_282 = tpu.vector_load %arg9[%get3A_280, %get3A_281] {strides = array<i32>} : memref<256x64xf32, #tpu.memory_space<vmem>>, vector<1x16xf32>,
        %get3A_283 = vector.shape_cast %get3A_282 : vector<1x16xf32> to vector<16xf32>
        %add3A_284 = arith.addi %mul3A_141, %scan3A_266 : i32
        %get3A_285 = arith.index_cast %add3A_284 : i32 to index
        %get3A_286 = arith.constant 16 : index
        %get3A_287 = tpu.vector_load %arg7[%get3A_285, %get3A_286] {strides = array<i32>} : memref<512x64xf32, #tpu.memory_space<vmem>>, vector<1x16xf32>,
        %get3A_288 = vector.shape_cast %get3A_287 : vector<1x16xf32> to vector<16xf32>
        %add3A_289 = arith.addf %get3A_283, %get3A_288 : vector<16xf32>
        %swap3A_290 = arith.index_cast %scan3A_266 : i32 to index
        %swap3A_291 = arith.constant 16 : index
        %swap3A_292 = tpu.vector_load %arg9[%swap3A_290, %swap3A_291] {strides = array<i32>} : memref<256x64xf32, #tpu.memory_space<vmem>>, vector<1x16xf32>,
        %swap3A_293 = vector.shape_cast %swap3A_292 : vector<1x16xf32> to vector<16xf32>
        %swap3A_294 = vector.shape_cast %add3A_289 : vector<16xf32> to vector<1x16xf32>
        tpu.vector_store %arg9[%swap3A_290, %swap3A_291], %swap3A_294 {strides = array<i32>} : memref<256x64xf32, #tpu.memory_space<vmem>>, vector<1x16xf32>,
        %get3A_295 = arith.index_cast %scan3A_266 : i32 to index
        %get3A_296 = arith.constant 32 : index
        %get3A_297 = tpu.vector_load %arg9[%get3A_295, %get3A_296] {strides = array<i32>} : memref<256x64xf32, #tpu.memory_space<vmem>>, vector<1x16xf32>,
        %get3A_298 = vector.shape_cast %get3A_297 : vector<1x16xf32> to vector<16xf32>
        %add3A_299 = arith.addi %mul3A_141, %scan3A_266 : i32
        %get3A_300 = arith.index_cast %add3A_299 : i32 to index
        %get3A_301 = arith.constant 32 : index
        %get3A_302 = tpu.vector_load %arg7[%get3A_300, %get3A_301] {strides = array<i32>} : memref<512x64xf32, #tpu.memory_space<vmem>>, vector<1x16xf32>,
        %get3A_303 = vector.shape_cast %get3A_302 : vector<1x16xf32> to vector<16xf32>
        %add3A_304 = arith.addf %get3A_298, %get3A_303 : vector<16xf32>
        %swap3A_305 = arith.index_cast %scan3A_266 : i32 to index
        %swap3A_306 = arith.constant 32 : index
        %swap3A_307 = tpu.vector_load %arg9[%swap3A_305, %swap3A_306] {strides = array<i32>} : memref<256x64xf32, #tpu.memory_space<vmem>>, vector<1x16xf32>,
        %swap3A_308 = vector.shape_cast %swap3A_307 : vector<1x16xf32> to vector<16xf32>
        %swap3A_309 = vector.shape_cast %add3A_304 : vector<16xf32> to vector<1x16xf32>
        tpu.vector_store %arg9[%swap3A_305, %swap3A_306], %swap3A_309 {strides = array<i32>} : memref<256x64xf32, #tpu.memory_space<vmem>>, vector<1x16xf32>,
        %get3A_310 = arith.index_cast %scan3A_266 : i32 to index
        %get3A_311 = arith.constant 48 : index
        %get3A_312 = tpu.vector_load %arg9[%get3A_310, %get3A_311] {strides = array<i32>} : memref<256x64xf32, #tpu.memory_space<vmem>>, vector<1x16xf32>,
        %get3A_313 = vector.shape_cast %get3A_312 : vector<1x16xf32> to vector<16xf32>
        %add3A_314 = arith.addi %mul3A_141, %scan3A_266 : i32
        %get3A_315 = arith.index_cast %add3A_314 : i32 to index
        %get3A_316 = arith.constant 48 : index
        %get3A_317 = tpu.vector_load %arg7[%get3A_315, %get3A_316] {strides = array<i32>} : memref<512x64xf32, #tpu.memory_space<vmem>>, vector<1x16xf32>,
        %get3A_318 = vector.shape_cast %get3A_317 : vector<1x16xf32> to vector<16xf32>
        %add3A_319 = arith.addf %get3A_313, %get3A_318 : vector<16xf32>
        %swap3A_320 = arith.index_cast %scan3A_266 : i32 to index
        %swap3A_321 = arith.constant 48 : index
        %swap3A_322 = tpu.vector_load %arg9[%swap3A_320, %swap3A_321] {strides = array<i32>} : memref<256x64xf32, #tpu.memory_space<vmem>>, vector<1x16xf32>,
        %swap3A_323 = vector.shape_cast %swap3A_322 : vector<1x16xf32> to vector<16xf32>
        %swap3A_324 = vector.shape_cast %add3A_319 : vector<16xf32> to vector<1x16xf32>
        tpu.vector_store %arg9[%swap3A_320, %swap3A_321], %swap3A_324 {strides = array<i32>} : memref<256x64xf32, #tpu.memory_space<vmem>>, vector<1x16xf32>,
      }
      %scan3A_147 = arith.constant 256 : i32
      %mul3A_148 = arith.constant 256 : i32
      %mul3A_149 = arith.muli %add3A_107, %mul3A_148 : i32
      %add3A_150 = arith.addi %mul3A_2, %mul3A_149 : i32
      %dma_start3A_151 = arith.constant 1 : i32
      %dma_start3A_152 = arith.constant 0 : i32
      %dma_start3A_153 = tpu.memref_slice %arg5[%add3A_150, %dma_start3A_152] : memref<524288x128xf32, #tpu.memory_space<hbm>> -> memref<256x64xf32, #tpu.memory_space<hbm>>
      %dma_start3A_154 = tpu.memref_slice %arg13[%dma_start3A_151] : memref<4x!tpu.dma_semaphore, #tpu.memory_space<semaphore_mem>> -> memref<1x!tpu.dma_semaphore, #tpu.memory_space<semaphore_mem>>
      %dma_start3A_155 = tpu.memref_squeeze %dma_start3A_154 : memref<1x!tpu.dma_semaphore, #tpu.memory_space<semaphore_mem>> -> memref<!tpu.dma_semaphore, #tpu.memory_space<semaphore_mem>>
      %dma_start3A_156 = arith.constant 0 : i32
      %dma_start3A_157 = tpu.memref_slice %arg5[%add3A_150, %dma_start3A_156] : memref<524288x128xf32, #tpu.memory_space<hbm>> -> memref<256x64xf32, #tpu.memory_space<hbm>>
      tpu.enqueue_dma source(%arg9 : memref<256x64xf32, #tpu.memory_space<vmem>>) target(%dma_start3A_157 : memref<256x64xf32, #tpu.memory_space<hbm>>) target_semaphore(%dma_start3A_155 : memref<!tpu.dma_semaphore, #tpu.memory_space<semaphore_mem>>)
      %mul3A_158 = arith.constant 4 : i32
      %mul3A_159 = arith.muli %scan3A_58, %mul3A_158 : i32
      %add3A_160 = arith.constant 2 : i32
      %add3A_161 = arith.addi %mul3A_159, %add3A_160 : i32
      %add3A_162 = arith.constant 2 : i32
      %add3A_163 = arith.addi %add3A_161, %add3A_162 : i32
      %lt3A_164 = arith.constant 64 : i32
      %lt3A_165 = arith.cmpi slt, %add3A_163, %lt3A_164 : i32
      %convert_element_type3A_166 = arith.extui %lt3A_165 : i1 to i32
      %cond3A_167 = arith.constant 0 : i32
      %cond3A_168 = arith.cmpi ne, %convert_element_type3A_166, %cond3A_167 : i32
      scf.if %cond3A_168 {
        %add3A_266 = arith.constant 2 : i32
        %add3A_267 = arith.addi %add3A_161, %add3A_266 : i32
        %ge3A = arith.constant 4 : i32
        %ge3A_268 = arith.cmpi sge, %add3A_267, %ge3A : i32
        %convert_element_type3A_269 = arith.extui %ge3A_268 : i1 to i32
        %cond3A_270 = arith.constant 0 : i32
        %cond3A_271 = arith.cmpi ne, %convert_element_type3A_269, %cond3A_270 : i32
        scf.if %cond3A_271 {
          %add3A_283 = arith.constant 2 : i32
          %add3A_284 = arith.addi %add3A_161, %add3A_283 : i32
          %sub3A = arith.constant 4 : i32
          %sub3A_285 = arith.subi %add3A_284, %sub3A : i32
          %mul3A_286 = arith.constant 256 : i32
          %mul3A_287 = arith.muli %sub3A_285, %mul3A_286 : i32
          %add3A_288 = arith.addi %mul3A_2, %mul3A_287 : i32
          %dma_wait3A_289 = arith.constant 0 : i32
          %dma_wait3A_290 = arith.constant 0 : i32
          %dma_wait3A_291 = tpu.memref_slice %arg5[%add3A_288, %dma_wait3A_290] : memref<524288x128xf32, #tpu.memory_space<hbm>> -> memref<256x64xf32, #tpu.memory_space<hbm>>
          %dma_wait3A_292 = tpu.memref_slice %arg13[%dma_wait3A_289] : memref<4x!tpu.dma_semaphore, #tpu.memory_space<semaphore_mem>> -> memref<1x!tpu.dma_semaphore, #tpu.memory_space<semaphore_mem>>
          %dma_wait3A_293 = tpu.memref_squeeze %dma_wait3A_292 : memref<1x!tpu.dma_semaphore, #tpu.memory_space<semaphore_mem>> -> memref<!tpu.dma_semaphore, #tpu.memory_space<semaphore_mem>>
          %dma_wait3A_294 = arith.constant 0 : i32
          %dma_wait3A_295 = tpu.memref_slice %arg5[%add3A_288, %dma_wait3A_294] : memref<524288x128xf32, #tpu.memory_space<hbm>> -> memref<256x64xf32, #tpu.memory_space<hbm>>
          tpu.wait_dma2 semaphore(%dma_wait3A_293 : memref<!tpu.dma_semaphore, #tpu.memory_space<semaphore_mem>>) src(%arg8 : memref<256x64xf32, #tpu.memory_space<vmem>>) dst(%dma_wait3A_295 : memref<256x64xf32, #tpu.memory_space<hbm>>)
        } else {
        }
        %add3A_272 = arith.constant 2 : i32
        %add3A_273 = arith.addi %add3A_161, %add3A_272 : i32
        %mul3A_274 = arith.constant 256 : i32
        %mul3A_275 = arith.muli %add3A_273, %mul3A_274 : i32
        %dma_start3A_276 = arith.constant 0 : i32
        %dma_start3A_277 = tpu.memref_slice %arg6[%mul3A_275] : memref<16384xi32, #tpu.memory_space<vmem>> -> memref<256xi32, #tpu.memory_space<vmem>>
        %dma_start3A_278 = arith.constant 0 : i32
        %dma_start3A_279 = arith.constant 0 : i32
        %dma_start3A_280 = tpu.memref_slice %arg3[%dma_start3A_278, %dma_start3A_279] : memref<100000x64xf32, #tpu.memory_space<hbm>> -> memref<100000x64xf32, #tpu.memory_space<hbm>>
        %dma_start3A_281 = tpu.memref_slice %arg12[%dma_start3A_276] : memref<4x!tpu.dma_semaphore, #tpu.memory_space<semaphore_mem>> -> memref<1x!tpu.dma_semaphore, #tpu.memory_space<semaphore_mem>>
        %dma_start3A_282 = tpu.memref_squeeze %dma_start3A_281 : memref<1x!tpu.dma_semaphore, #tpu.memory_space<semaphore_mem>> -> memref<!tpu.dma_semaphore, #tpu.memory_space<semaphore_mem>>
        tpu.enqueue_indirect_dma source(%dma_start3A_280 : memref<100000x64xf32, #tpu.memory_space<hbm>>) target(%arg8 : memref<256x64xf32, #tpu.memory_space<vmem>>) offsets(%dma_start3A_277 : memref<256xi32, #tpu.memory_space<vmem>>) semaphore(%dma_start3A_282 : memref<!tpu.dma_semaphore, #tpu.memory_space<semaphore_mem>>)
      } else {
      }
      %mul3A_169 = arith.constant 256 : i32
      %mul3A_170 = arith.muli %add3A_161, %mul3A_169 : i32
      %dma_wait3A_171 = arith.constant 2 : i32
      %dma_wait3A_172 = tpu.memref_slice %arg6[%mul3A_170] : memref<16384xi32, #tpu.memory_space<vmem>> -> memref<256xi32, #tpu.memory_space<vmem>>
      %dma_wait3A_173 = arith.constant 0 : i32
      %dma_wait3A_174 = arith.constant 0 : i32
      %dma_wait3A_175 = tpu.memref_slice %arg3[%dma_wait3A_173, %dma_wait3A_174] : memref<100000x64xf32, #tpu.memory_space<hbm>> -> memref<100000x64xf32, #tpu.memory_space<hbm>>
      %dma_wait3A_176 = tpu.memref_slice %arg12[%dma_wait3A_171] : memref<4x!tpu.dma_semaphore, #tpu.memory_space<semaphore_mem>> -> memref<1x!tpu.dma_semaphore, #tpu.memory_space<semaphore_mem>>
      %dma_wait3A_177 = tpu.memref_squeeze %dma_wait3A_176 : memref<1x!tpu.dma_semaphore, #tpu.memory_space<semaphore_mem>> -> memref<!tpu.dma_semaphore, #tpu.memory_space<semaphore_mem>>
      tpu.wait_indirect_dma semaphore(%dma_wait3A_177 : memref<!tpu.dma_semaphore, #tpu.memory_space<semaphore_mem>>) src(%dma_wait3A_175 : memref<100000x64xf32, #tpu.memory_space<hbm>>) dst(%arg10 : memref<256x64xf32, #tpu.memory_space<vmem>>)
      %jit3A_178 = arith.constant 2 : i32
      %eq3A_179 = arith.constant 0 : i32
      %eq3A_180 = arith.cmpi eq, %jit3A_178, %eq3A_179 : i32
      %jit3A_181 = arith.constant 1 : i32
      %select_n3A_182 = arith.select %eq3A_180, %jit3A_181, %jit3A_178 : i32
      %rem3A_183 = arith.remsi %add3A_161, %select_n3A_182 : i32
      %ne3A_184 = arith.constant 0 : i32
      %ne3A_185 = arith.cmpi ne, %rem3A_183, %ne3A_184 : i32
      %lt3A_186 = arith.constant 0 : i32
      %lt3A_187 = arith.cmpi slt, %rem3A_183, %lt3A_186 : i32
      %lt3A_188 = arith.constant 0 : i32
      %lt3A_189 = arith.cmpi slt, %select_n3A_182, %lt3A_188 : i32
      %ne3A_190 = arith.xori %lt3A_187, %lt3A_189 : i1
      %and3A_191 = arith.andi %ne3A_190, %ne3A_185 : i1
      %add3A_192 = arith.addi %rem3A_183, %select_n3A_182 : i32
      %select_n3A_193 = arith.select %and3A_191, %add3A_192, %rem3A_183 : i32
      %mul3A_194 = arith.constant 256 : i32
      %mul3A_195 = arith.muli %select_n3A_193, %mul3A_194 : i32
      %scan3A_196 = arith.constant 0 : i32
      %scan3A_197 = arith.constant 0 : i32
      %scan3A_198 = arith.constant 256 : i32
      %scan3A_199 = arith.addi %scan3A_197, %scan3A_198 : i32
      %scan3A_200 = arith.constant 1 : i32
      scf.for %scan3A_266 = %scan3A_197 to %scan3A_199 step %scan3A_200  : i32 {
        %get3A = arith.index_cast %scan3A_266 : i32 to index
        %get3A_267 = arith.constant 0 : index
        %get3A_268 = tpu.vector_load %arg10[%get3A, %get3A_267] {strides = array<i32>} : memref<256x64xf32, #tpu.memory_space<vmem>>, vector<1x16xf32>,
        %get3A_269 = vector.shape_cast %get3A_268 : vector<1x16xf32> to vector<16xf32>
        %add3A_270 = arith.addi %mul3A_195, %scan3A_266 : i32
        %get3A_271 = arith.index_cast %add3A_270 : i32 to index
        %get3A_272 = arith.constant 0 : index
        %get3A_273 = tpu.vector_load %arg7[%get3A_271, %get3A_272] {strides = array<i32>} : memref<512x64xf32, #tpu.memory_space<vmem>>, vector<1x16xf32>,
        %get3A_274 = vector.shape_cast %get3A_273 : vector<1x16xf32> to vector<16xf32>
        %add3A_275 = arith.addf %get3A_269, %get3A_274 : vector<16xf32>
        %swap3A = arith.index_cast %scan3A_266 : i32 to index
        %swap3A_276 = arith.constant 0 : index
        %swap3A_277 = tpu.vector_load %arg10[%swap3A, %swap3A_276] {strides = array<i32>} : memref<256x64xf32, #tpu.memory_space<vmem>>, vector<1x16xf32>,
        %swap3A_278 = vector.shape_cast %swap3A_277 : vector<1x16xf32> to vector<16xf32>
        %swap3A_279 = vector.shape_cast %add3A_275 : vector<16xf32> to vector<1x16xf32>
        tpu.vector_store %arg10[%swap3A, %swap3A_276], %swap3A_279 {strides = array<i32>} : memref<256x64xf32, #tpu.memory_space<vmem>>, vector<1x16xf32>,
        %get3A_280 = arith.index_cast %scan3A_266 : i32 to index
        %get3A_281 = arith.constant 16 : index
        %get3A_282 = tpu.vector_load %arg10[%get3A_280, %get3A_281] {strides = array<i32>} : memref<256x64xf32, #tpu.memory_space<vmem>>, vector<1x16xf32>,
        %get3A_283 = vector.shape_cast %get3A_282 : vector<1x16xf32> to vector<16xf32>
        %add3A_284 = arith.addi %mul3A_195, %scan3A_266 : i32
        %get3A_285 = arith.index_cast %add3A_284 : i32 to index
        %get3A_286 = arith.constant 16 : index
        %get3A_287 = tpu.vector_load %arg7[%get3A_285, %get3A_286] {strides = array<i32>} : memref<512x64xf32, #tpu.memory_space<vmem>>, vector<1x16xf32>,
        %get3A_288 = vector.shape_cast %get3A_287 : vector<1x16xf32> to vector<16xf32>
        %add3A_289 = arith.addf %get3A_283, %get3A_288 : vector<16xf32>
        %swap3A_290 = arith.index_cast %scan3A_266 : i32 to index
        %swap3A_291 = arith.constant 16 : index
        %swap3A_292 = tpu.vector_load %arg10[%swap3A_290, %swap3A_291] {strides = array<i32>} : memref<256x64xf32, #tpu.memory_space<vmem>>, vector<1x16xf32>,
        %swap3A_293 = vector.shape_cast %swap3A_292 : vector<1x16xf32> to vector<16xf32>
        %swap3A_294 = vector.shape_cast %add3A_289 : vector<16xf32> to vector<1x16xf32>
        tpu.vector_store %arg10[%swap3A_290, %swap3A_291], %swap3A_294 {strides = array<i32>} : memref<256x64xf32, #tpu.memory_space<vmem>>, vector<1x16xf32>,
        %get3A_295 = arith.index_cast %scan3A_266 : i32 to index
        %get3A_296 = arith.constant 32 : index
        %get3A_297 = tpu.vector_load %arg10[%get3A_295, %get3A_296] {strides = array<i32>} : memref<256x64xf32, #tpu.memory_space<vmem>>, vector<1x16xf32>,
        %get3A_298 = vector.shape_cast %get3A_297 : vector<1x16xf32> to vector<16xf32>
        %add3A_299 = arith.addi %mul3A_195, %scan3A_266 : i32
        %get3A_300 = arith.index_cast %add3A_299 : i32 to index
        %get3A_301 = arith.constant 32 : index
        %get3A_302 = tpu.vector_load %arg7[%get3A_300, %get3A_301] {strides = array<i32>} : memref<512x64xf32, #tpu.memory_space<vmem>>, vector<1x16xf32>,
        %get3A_303 = vector.shape_cast %get3A_302 : vector<1x16xf32> to vector<16xf32>
        %add3A_304 = arith.addf %get3A_298, %get3A_303 : vector<16xf32>
        %swap3A_305 = arith.index_cast %scan3A_266 : i32 to index
        %swap3A_306 = arith.constant 32 : index
        %swap3A_307 = tpu.vector_load %arg10[%swap3A_305, %swap3A_306] {strides = array<i32>} : memref<256x64xf32, #tpu.memory_space<vmem>>, vector<1x16xf32>,
        %swap3A_308 = vector.shape_cast %swap3A_307 : vector<1x16xf32> to vector<16xf32>
        %swap3A_309 = vector.shape_cast %add3A_304 : vector<16xf32> to vector<1x16xf32>
        tpu.vector_store %arg10[%swap3A_305, %swap3A_306], %swap3A_309 {strides = array<i32>} : memref<256x64xf32, #tpu.memory_space<vmem>>, vector<1x16xf32>,
        %get3A_310 = arith.index_cast %scan3A_266 : i32 to index
        %get3A_311 = arith.constant 48 : index
        %get3A_312 = tpu.vector_load %arg10[%get3A_310, %get3A_311] {strides = array<i32>} : memref<256x64xf32, #tpu.memory_space<vmem>>, vector<1x16xf32>,
        %get3A_313 = vector.shape_cast %get3A_312 : vector<1x16xf32> to vector<16xf32>
        %add3A_314 = arith.addi %mul3A_195, %scan3A_266 : i32
        %get3A_315 = arith.index_cast %add3A_314 : i32 to index
        %get3A_316 = arith.constant 48 : index
        %get3A_317 = tpu.vector_load %arg7[%get3A_315, %get3A_316] {strides = array<i32>} : memref<512x64xf32, #tpu.memory_space<vmem>>, vector<1x16xf32>,
        %get3A_318 = vector.shape_cast %get3A_317 : vector<1x16xf32> to vector<16xf32>
        %add3A_319 = arith.addf %get3A_313, %get3A_318 : vector<16xf32>
        %swap3A_320 = arith.index_cast %scan3A_266 : i32 to index
        %swap3A_321 = arith.constant 48 : index
        %swap3A_322 = tpu.vector_load %arg10[%swap3A_320, %swap3A_321] {strides = array<i32>} : memref<256x64xf32, #tpu.memory_space<vmem>>, vector<1x16xf32>,
        %swap3A_323 = vector.shape_cast %swap3A_322 : vector<1x16xf32> to vector<16xf32>
        %swap3A_324 = vector.shape_cast %add3A_319 : vector<16xf32> to vector<1x16xf32>
        tpu.vector_store %arg10[%swap3A_320, %swap3A_321], %swap3A_324 {strides = array<i32>} : memref<256x64xf32, #tpu.memory_space<vmem>>, vector<1x16xf32>,
      }
      %scan3A_201 = arith.constant 256 : i32
      %mul3A_202 = arith.constant 256 : i32
      %mul3A_203 = arith.muli %add3A_161, %mul3A_202 : i32
      %add3A_204 = arith.addi %mul3A_2, %mul3A_203 : i32
      %dma_start3A_205 = arith.constant 2 : i32
      %dma_start3A_206 = arith.constant 0 : i32
      %dma_start3A_207 = tpu.memref_slice %arg5[%add3A_204, %dma_start3A_206] : memref<524288x128xf32, #tpu.memory_space<hbm>> -> memref<256x64xf32, #tpu.memory_space<hbm>>
      %dma_start3A_208 = tpu.memref_slice %arg13[%dma_start3A_205] : memref<4x!tpu.dma_semaphore, #tpu.memory_space<semaphore_mem>> -> memref<1x!tpu.dma_semaphore, #tpu.memory_space<semaphore_mem>>
      %dma_start3A_209 = tpu.memref_squeeze %dma_start3A_208 : memref<1x!tpu.dma_semaphore, #tpu.memory_space<semaphore_mem>> -> memref<!tpu.dma_semaphore, #tpu.memory_space<semaphore_mem>>
      %dma_start3A_210 = arith.constant 0 : i32
      %dma_start3A_211 = tpu.memref_slice %arg5[%add3A_204, %dma_start3A_210] : memref<524288x128xf32, #tpu.memory_space<hbm>> -> memref<256x64xf32, #tpu.memory_space<hbm>>
      tpu.enqueue_dma source(%arg10 : memref<256x64xf32, #tpu.memory_space<vmem>>) target(%dma_start3A_211 : memref<256x64xf32, #tpu.memory_space<hbm>>) target_semaphore(%dma_start3A_209 : memref<!tpu.dma_semaphore, #tpu.memory_space<semaphore_mem>>)
      %mul3A_212 = arith.constant 4 : i32
      %mul3A_213 = arith.muli %scan3A_58, %mul3A_212 : i32
      %add3A_214 = arith.constant 3 : i32
      %add3A_215 = arith.addi %mul3A_213, %add3A_214 : i32
      %add3A_216 = arith.constant 2 : i32
      %add3A_217 = arith.addi %add3A_215, %add3A_216 : i32
      %lt3A_218 = arith.constant 64 : i32
      %lt3A_219 = arith.cmpi slt, %add3A_217, %lt3A_218 : i32
      %convert_element_type3A_220 = arith.extui %lt3A_219 : i1 to i32
      %cond3A_221 = arith.constant 0 : i32
      %cond3A_222 = arith.cmpi ne, %convert_element_type3A_220, %cond3A_221 : i32
      scf.if %cond3A_222 {
        %add3A_266 = arith.constant 2 : i32
        %add3A_267 = arith.addi %add3A_215, %add3A_266 : i32
        %ge3A = arith.constant 4 : i32
        %ge3A_268 = arith.cmpi sge, %add3A_267, %ge3A : i32
        %convert_element_type3A_269 = arith.extui %ge3A_268 : i1 to i32
        %cond3A_270 = arith.constant 0 : i32
        %cond3A_271 = arith.cmpi ne, %convert_element_type3A_269, %cond3A_270 : i32
        scf.if %cond3A_271 {
          %add3A_283 = arith.constant 2 : i32
          %add3A_284 = arith.addi %add3A_215, %add3A_283 : i32
          %sub3A = arith.constant 4 : i32
          %sub3A_285 = arith.subi %add3A_284, %sub3A : i32
          %mul3A_286 = arith.constant 256 : i32
          %mul3A_287 = arith.muli %sub3A_285, %mul3A_286 : i32
          %add3A_288 = arith.addi %mul3A_2, %mul3A_287 : i32
          %dma_wait3A_289 = arith.constant 1 : i32
          %dma_wait3A_290 = arith.constant 0 : i32
          %dma_wait3A_291 = tpu.memref_slice %arg5[%add3A_288, %dma_wait3A_290] : memref<524288x128xf32, #tpu.memory_space<hbm>> -> memref<256x64xf32, #tpu.memory_space<hbm>>
          %dma_wait3A_292 = tpu.memref_slice %arg13[%dma_wait3A_289] : memref<4x!tpu.dma_semaphore, #tpu.memory_space<semaphore_mem>> -> memref<1x!tpu.dma_semaphore, #tpu.memory_space<semaphore_mem>>
          %dma_wait3A_293 = tpu.memref_squeeze %dma_wait3A_292 : memref<1x!tpu.dma_semaphore, #tpu.memory_space<semaphore_mem>> -> memref<!tpu.dma_semaphore, #tpu.memory_space<semaphore_mem>>
          %dma_wait3A_294 = arith.constant 0 : i32
          %dma_wait3A_295 = tpu.memref_slice %arg5[%add3A_288, %dma_wait3A_294] : memref<524288x128xf32, #tpu.memory_space<hbm>> -> memref<256x64xf32, #tpu.memory_space<hbm>>
          tpu.wait_dma2 semaphore(%dma_wait3A_293 : memref<!tpu.dma_semaphore, #tpu.memory_space<semaphore_mem>>) src(%arg9 : memref<256x64xf32, #tpu.memory_space<vmem>>) dst(%dma_wait3A_295 : memref<256x64xf32, #tpu.memory_space<hbm>>)
        } else {
        }
        %add3A_272 = arith.constant 2 : i32
        %add3A_273 = arith.addi %add3A_215, %add3A_272 : i32
        %mul3A_274 = arith.constant 256 : i32
        %mul3A_275 = arith.muli %add3A_273, %mul3A_274 : i32
        %dma_start3A_276 = arith.constant 1 : i32
        %dma_start3A_277 = tpu.memref_slice %arg6[%mul3A_275] : memref<16384xi32, #tpu.memory_space<vmem>> -> memref<256xi32, #tpu.memory_space<vmem>>
        %dma_start3A_278 = arith.constant 0 : i32
        %dma_start3A_279 = arith.constant 0 : i32
        %dma_start3A_280 = tpu.memref_slice %arg3[%dma_start3A_278, %dma_start3A_279] : memref<100000x64xf32, #tpu.memory_space<hbm>> -> memref<100000x64xf32, #tpu.memory_space<hbm>>
        %dma_start3A_281 = tpu.memref_slice %arg12[%dma_start3A_276] : memref<4x!tpu.dma_semaphore, #tpu.memory_space<semaphore_mem>> -> memref<1x!tpu.dma_semaphore, #tpu.memory_space<semaphore_mem>>
        %dma_start3A_282 = tpu.memref_squeeze %dma_start3A_281 : memref<1x!tpu.dma_semaphore, #tpu.memory_space<semaphore_mem>> -> memref<!tpu.dma_semaphore, #tpu.memory_space<semaphore_mem>>
        tpu.enqueue_indirect_dma source(%dma_start3A_280 : memref<100000x64xf32, #tpu.memory_space<hbm>>) target(%arg9 : memref<256x64xf32, #tpu.memory_space<vmem>>) offsets(%dma_start3A_277 : memref<256xi32, #tpu.memory_space<vmem>>) semaphore(%dma_start3A_282 : memref<!tpu.dma_semaphore, #tpu.memory_space<semaphore_mem>>)
      } else {
      }
      %mul3A_223 = arith.constant 256 : i32
      %mul3A_224 = arith.muli %add3A_215, %mul3A_223 : i32
      %dma_wait3A_225 = arith.constant 3 : i32
      %dma_wait3A_226 = tpu.memref_slice %arg6[%mul3A_224] : memref<16384xi32, #tpu.memory_space<vmem>> -> memref<256xi32, #tpu.memory_space<vmem>>
      %dma_wait3A_227 = arith.constant 0 : i32
      %dma_wait3A_228 = arith.constant 0 : i32
      %dma_wait3A_229 = tpu.memref_slice %arg3[%dma_wait3A_227, %dma_wait3A_228] : memref<100000x64xf32, #tpu.memory_space<hbm>> -> memref<100000x64xf32, #tpu.memory_space<hbm>>
      %dma_wait3A_230 = tpu.memref_slice %arg12[%dma_wait3A_225] : memref<4x!tpu.dma_semaphore, #tpu.memory_space<semaphore_mem>> -> memref<1x!tpu.dma_semaphore, #tpu.memory_space<semaphore_mem>>
      %dma_wait3A_231 = tpu.memref_squeeze %dma_wait3A_230 : memref<1x!tpu.dma_semaphore, #tpu.memory_space<semaphore_mem>> -> memref<!tpu.dma_semaphore, #tpu.memory_space<semaphore_mem>>
      tpu.wait_indirect_dma semaphore(%dma_wait3A_231 : memref<!tpu.dma_semaphore, #tpu.memory_space<semaphore_mem>>) src(%dma_wait3A_229 : memref<100000x64xf32, #tpu.memory_space<hbm>>) dst(%arg11 : memref<256x64xf32, #tpu.memory_space<vmem>>)
      %jit3A_232 = arith.constant 2 : i32
      %eq3A_233 = arith.constant 0 : i32
      %eq3A_234 = arith.cmpi eq, %jit3A_232, %eq3A_233 : i32
      %jit3A_235 = arith.constant 1 : i32
      %select_n3A_236 = arith.select %eq3A_234, %jit3A_235, %jit3A_232 : i32
      %rem3A_237 = arith.remsi %add3A_215, %select_n3A_236 : i32
      %ne3A_238 = arith.constant 0 : i32
      %ne3A_239 = arith.cmpi ne, %rem3A_237, %ne3A_238 : i32
      %lt3A_240 = arith.constant 0 : i32
      %lt3A_241 = arith.cmpi slt, %rem3A_237, %lt3A_240 : i32
      %lt3A_242 = arith.constant 0 : i32
      %lt3A_243 = arith.cmpi slt, %select_n3A_236, %lt3A_242 : i32
      %ne3A_244 = arith.xori %lt3A_241, %lt3A_243 : i1
      %and3A_245 = arith.andi %ne3A_244, %ne3A_239 : i1
      %add3A_246 = arith.addi %rem3A_237, %select_n3A_236 : i32
      %select_n3A_247 = arith.select %and3A_245, %add3A_246, %rem3A_237 : i32
      %mul3A_248 = arith.constant 256 : i32
      %mul3A_249 = arith.muli %select_n3A_247, %mul3A_248 : i32
      %scan3A_250 = arith.constant 0 : i32
      %scan3A_251 = arith.constant 0 : i32
      %scan3A_252 = arith.constant 256 : i32
      %scan3A_253 = arith.addi %scan3A_251, %scan3A_252 : i32
      %scan3A_254 = arith.constant 1 : i32
      scf.for %scan3A_266 = %scan3A_251 to %scan3A_253 step %scan3A_254  : i32 {
        %get3A = arith.index_cast %scan3A_266 : i32 to index
        %get3A_267 = arith.constant 0 : index
        %get3A_268 = tpu.vector_load %arg11[%get3A, %get3A_267] {strides = array<i32>} : memref<256x64xf32, #tpu.memory_space<vmem>>, vector<1x16xf32>,
        %get3A_269 = vector.shape_cast %get3A_268 : vector<1x16xf32> to vector<16xf32>
        %add3A_270 = arith.addi %mul3A_249, %scan3A_266 : i32
        %get3A_271 = arith.index_cast %add3A_270 : i32 to index
        %get3A_272 = arith.constant 0 : index
        %get3A_273 = tpu.vector_load %arg7[%get3A_271, %get3A_272] {strides = array<i32>} : memref<512x64xf32, #tpu.memory_space<vmem>>, vector<1x16xf32>,
        %get3A_274 = vector.shape_cast %get3A_273 : vector<1x16xf32> to vector<16xf32>
        %add3A_275 = arith.addf %get3A_269, %get3A_274 : vector<16xf32>
        %swap3A = arith.index_cast %scan3A_266 : i32 to index
        %swap3A_276 = arith.constant 0 : index
        %swap3A_277 = tpu.vector_load %arg11[%swap3A, %swap3A_276] {strides = array<i32>} : memref<256x64xf32, #tpu.memory_space<vmem>>, vector<1x16xf32>,
        %swap3A_278 = vector.shape_cast %swap3A_277 : vector<1x16xf32> to vector<16xf32>
        %swap3A_279 = vector.shape_cast %add3A_275 : vector<16xf32> to vector<1x16xf32>
        tpu.vector_store %arg11[%swap3A, %swap3A_276], %swap3A_279 {strides = array<i32>} : memref<256x64xf32, #tpu.memory_space<vmem>>, vector<1x16xf32>,
        %get3A_280 = arith.index_cast %scan3A_266 : i32 to index
        %get3A_281 = arith.constant 16 : index
        %get3A_282 = tpu.vector_load %arg11[%get3A_280, %get3A_281] {strides = array<i32>} : memref<256x64xf32, #tpu.memory_space<vmem>>, vector<1x16xf32>,
        %get3A_283 = vector.shape_cast %get3A_282 : vector<1x16xf32> to vector<16xf32>
        %add3A_284 = arith.addi %mul3A_249, %scan3A_266 : i32
        %get3A_285 = arith.index_cast %add3A_284 : i32 to index
        %get3A_286 = arith.constant 16 : index
        %get3A_287 = tpu.vector_load %arg7[%get3A_285, %get3A_286] {strides = array<i32>} : memref<512x64xf32, #tpu.memory_space<vmem>>, vector<1x16xf32>,
        %get3A_288 = vector.shape_cast %get3A_287 : vector<1x16xf32> to vector<16xf32>
        %add3A_289 = arith.addf %get3A_283, %get3A_288 : vector<16xf32>
        %swap3A_290 = arith.index_cast %scan3A_266 : i32 to index
        %swap3A_291 = arith.constant 16 : index
        %swap3A_292 = tpu.vector_load %arg11[%swap3A_290, %swap3A_291] {strides = array<i32>} : memref<256x64xf32, #tpu.memory_space<vmem>>, vector<1x16xf32>,
        %swap3A_293 = vector.shape_cast %swap3A_292 : vector<1x16xf32> to vector<16xf32>
        %swap3A_294 = vector.shape_cast %add3A_289 : vector<16xf32> to vector<1x16xf32>
        tpu.vector_store %arg11[%swap3A_290, %swap3A_291], %swap3A_294 {strides = array<i32>} : memref<256x64xf32, #tpu.memory_space<vmem>>, vector<1x16xf32>,
        %get3A_295 = arith.index_cast %scan3A_266 : i32 to index
        %get3A_296 = arith.constant 32 : index
        %get3A_297 = tpu.vector_load %arg11[%get3A_295, %get3A_296] {strides = array<i32>} : memref<256x64xf32, #tpu.memory_space<vmem>>, vector<1x16xf32>,
        %get3A_298 = vector.shape_cast %get3A_297 : vector<1x16xf32> to vector<16xf32>
        %add3A_299 = arith.addi %mul3A_249, %scan3A_266 : i32
        %get3A_300 = arith.index_cast %add3A_299 : i32 to index
        %get3A_301 = arith.constant 32 : index
        %get3A_302 = tpu.vector_load %arg7[%get3A_300, %get3A_301] {strides = array<i32>} : memref<512x64xf32, #tpu.memory_space<vmem>>, vector<1x16xf32>,
        %get3A_303 = vector.shape_cast %get3A_302 : vector<1x16xf32> to vector<16xf32>
        %add3A_304 = arith.addf %get3A_298, %get3A_303 : vector<16xf32>
        %swap3A_305 = arith.index_cast %scan3A_266 : i32 to index
        %swap3A_306 = arith.constant 32 : index
        %swap3A_307 = tpu.vector_load %arg11[%swap3A_305, %swap3A_306] {strides = array<i32>} : memref<256x64xf32, #tpu.memory_space<vmem>>, vector<1x16xf32>,
        %swap3A_308 = vector.shape_cast %swap3A_307 : vector<1x16xf32> to vector<16xf32>
        %swap3A_309 = vector.shape_cast %add3A_304 : vector<16xf32> to vector<1x16xf32>
        tpu.vector_store %arg11[%swap3A_305, %swap3A_306], %swap3A_309 {strides = array<i32>} : memref<256x64xf32, #tpu.memory_space<vmem>>, vector<1x16xf32>,
        %get3A_310 = arith.index_cast %scan3A_266 : i32 to index
        %get3A_311 = arith.constant 48 : index
        %get3A_312 = tpu.vector_load %arg11[%get3A_310, %get3A_311] {strides = array<i32>} : memref<256x64xf32, #tpu.memory_space<vmem>>, vector<1x16xf32>,
        %get3A_313 = vector.shape_cast %get3A_312 : vector<1x16xf32> to vector<16xf32>
        %add3A_314 = arith.addi %mul3A_249, %scan3A_266 : i32
        %get3A_315 = arith.index_cast %add3A_314 : i32 to index
        %get3A_316 = arith.constant 48 : index
        %get3A_317 = tpu.vector_load %arg7[%get3A_315, %get3A_316] {strides = array<i32>} : memref<512x64xf32, #tpu.memory_space<vmem>>, vector<1x16xf32>,
        %get3A_318 = vector.shape_cast %get3A_317 : vector<1x16xf32> to vector<16xf32>
        %add3A_319 = arith.addf %get3A_313, %get3A_318 : vector<16xf32>
        %swap3A_320 = arith.index_cast %scan3A_266 : i32 to index
        %swap3A_321 = arith.constant 48 : index
        %swap3A_322 = tpu.vector_load %arg11[%swap3A_320, %swap3A_321] {strides = array<i32>} : memref<256x64xf32, #tpu.memory_space<vmem>>, vector<1x16xf32>,
        %swap3A_323 = vector.shape_cast %swap3A_322 : vector<1x16xf32> to vector<16xf32>
        %swap3A_324 = vector.shape_cast %add3A_319 : vector<16xf32> to vector<1x16xf32>
        tpu.vector_store %arg11[%swap3A_320, %swap3A_321], %swap3A_324 {strides = array<i32>} : memref<256x64xf32, #tpu.memory_space<vmem>>, vector<1x16xf32>,
      }
      %scan3A_255 = arith.constant 256 : i32
      %mul3A_256 = arith.constant 256 : i32
      %mul3A_257 = arith.muli %add3A_215, %mul3A_256 : i32
      %add3A_258 = arith.addi %mul3A_2, %mul3A_257 : i32
      %dma_start3A_259 = arith.constant 3 : i32
      %dma_start3A_260 = arith.constant 0 : i32
      %dma_start3A_261 = tpu.memref_slice %arg5[%add3A_258, %dma_start3A_260] : memref<524288x128xf32, #tpu.memory_space<hbm>> -> memref<256x64xf32, #tpu.memory_space<hbm>>
      %dma_start3A_262 = tpu.memref_slice %arg13[%dma_start3A_259] : memref<4x!tpu.dma_semaphore, #tpu.memory_space<semaphore_mem>> -> memref<1x!tpu.dma_semaphore, #tpu.memory_space<semaphore_mem>>
      %dma_start3A_263 = tpu.memref_squeeze %dma_start3A_262 : memref<1x!tpu.dma_semaphore, #tpu.memory_space<semaphore_mem>> -> memref<!tpu.dma_semaphore, #tpu.memory_space<semaphore_mem>>
      %dma_start3A_264 = arith.constant 0 : i32
      %dma_start3A_265 = tpu.memref_slice %arg5[%add3A_258, %dma_start3A_264] : memref<524288x128xf32, #tpu.memory_space<hbm>> -> memref<256x64xf32, #tpu.memory_space<hbm>>
      tpu.enqueue_dma source(%arg11 : memref<256x64xf32, #tpu.memory_space<vmem>>) target(%dma_start3A_265 : memref<256x64xf32, #tpu.memory_space<hbm>>) target_semaphore(%dma_start3A_263 : memref<!tpu.dma_semaphore, #tpu.memory_space<semaphore_mem>>)
    }
    %scan3A_22 = arith.constant 16 : i32
    %add3A_23 = arith.constant 15360 : i32
    %add3A_24 = arith.addi %mul3A_2, %add3A_23 : i32
    %dma_wait3A = arith.constant 0 : i32
    %dma_wait3A_25 = arith.constant 0 : i32
    %dma_wait3A_26 = tpu.memref_slice %arg5[%add3A_24, %dma_wait3A_25] : memref<524288x128xf32, #tpu.memory_space<hbm>> -> memref<256x64xf32, #tpu.memory_space<hbm>>
    %dma_wait3A_27 = tpu.memref_slice %arg13[%dma_wait3A] : memref<4x!tpu.dma_semaphore, #tpu.memory_space<semaphore_mem>> -> memref<1x!tpu.dma_semaphore, #tpu.memory_space<semaphore_mem>>
    %dma_wait3A_28 = tpu.memref_squeeze %dma_wait3A_27 : memref<1x!tpu.dma_semaphore, #tpu.memory_space<semaphore_mem>> -> memref<!tpu.dma_semaphore, #tpu.memory_space<semaphore_mem>>
    %dma_wait3A_29 = arith.constant 0 : i32
    %dma_wait3A_30 = tpu.memref_slice %arg5[%add3A_24, %dma_wait3A_29] : memref<524288x128xf32, #tpu.memory_space<hbm>> -> memref<256x64xf32, #tpu.memory_space<hbm>>
    tpu.wait_dma2 semaphore(%dma_wait3A_28 : memref<!tpu.dma_semaphore, #tpu.memory_space<semaphore_mem>>) src(%arg8 : memref<256x64xf32, #tpu.memory_space<vmem>>) dst(%dma_wait3A_30 : memref<256x64xf32, #tpu.memory_space<hbm>>)
    %add3A_31 = arith.constant 15616 : i32
    %add3A_32 = arith.addi %mul3A_2, %add3A_31 : i32
    %dma_wait3A_33 = arith.constant 1 : i32
    %dma_wait3A_34 = arith.constant 0 : i32
    %dma_wait3A_35 = tpu.memref_slice %arg5[%add3A_32, %dma_wait3A_34] : memref<524288x128xf32, #tpu.memory_space<hbm>> -> memref<256x64xf32, #tpu.memory_space<hbm>>
    %dma_wait3A_36 = tpu.memref_slice %arg13[%dma_wait3A_33] : memref<4x!tpu.dma_semaphore, #tpu.memory_space<semaphore_mem>> -> memref<1x!tpu.dma_semaphore, #tpu.memory_space<semaphore_mem>>
    %dma_wait3A_37 = tpu.memref_squeeze %dma_wait3A_36 : memref<1x!tpu.dma_semaphore, #tpu.memory_space<semaphore_mem>> -> memref<!tpu.dma_semaphore, #tpu.memory_space<semaphore_mem>>
    %dma_wait3A_38 = arith.constant 0 : i32
    %dma_wait3A_39 = tpu.memref_slice %arg5[%add3A_32, %dma_wait3A_38] : memref<524288x128xf32, #tpu.memory_space<hbm>> -> memref<256x64xf32, #tpu.memory_space<hbm>>
    tpu.wait_dma2 semaphore(%dma_wait3A_37 : memref<!tpu.dma_semaphore, #tpu.memory_space<semaphore_mem>>) src(%arg9 : memref<256x64xf32, #tpu.memory_space<vmem>>) dst(%dma_wait3A_39 : memref<256x64xf32, #tpu.memory_space<hbm>>)
    %add3A_40 = arith.constant 15872 : i32
    %add3A_41 = arith.addi %mul3A_2, %add3A_40 : i32
    %dma_wait3A_42 = arith.constant 2 : i32
    %dma_wait3A_43 = arith.constant 0 : i32
    %dma_wait3A_44 = tpu.memref_slice %arg5[%add3A_41, %dma_wait3A_43] : memref<524288x128xf32, #tpu.memory_space<hbm>> -> memref<256x64xf32, #tpu.memory_space<hbm>>
    %dma_wait3A_45 = tpu.memref_slice %arg13[%dma_wait3A_42] : memref<4x!tpu.dma_semaphore, #tpu.memory_space<semaphore_mem>> -> memref<1x!tpu.dma_semaphore, #tpu.memory_space<semaphore_mem>>
    %dma_wait3A_46 = tpu.memref_squeeze %dma_wait3A_45 : memref<1x!tpu.dma_semaphore, #tpu.memory_space<semaphore_mem>> -> memref<!tpu.dma_semaphore, #tpu.memory_space<semaphore_mem>>
    %dma_wait3A_47 = arith.constant 0 : i32
    %dma_wait3A_48 = tpu.memref_slice %arg5[%add3A_41, %dma_wait3A_47] : memref<524288x128xf32, #tpu.memory_space<hbm>> -> memref<256x64xf32, #tpu.memory_space<hbm>>
    tpu.wait_dma2 semaphore(%dma_wait3A_46 : memref<!tpu.dma_semaphore, #tpu.memory_space<semaphore_mem>>) src(%arg10 : memref<256x64xf32, #tpu.memory_space<vmem>>) dst(%dma_wait3A_48 : memref<256x64xf32, #tpu.memory_space<hbm>>)
    %add3A_49 = arith.constant 16128 : i32
    %add3A_50 = arith.addi %mul3A_2, %add3A_49 : i32
    %dma_wait3A_51 = arith.constant 3 : i32
    %dma_wait3A_52 = arith.constant 0 : i32
    %dma_wait3A_53 = tpu.memref_slice %arg5[%add3A_50, %dma_wait3A_52] : memref<524288x128xf32, #tpu.memory_space<hbm>> -> memref<256x64xf32, #tpu.memory_space<hbm>>
    %dma_wait3A_54 = tpu.memref_slice %arg13[%dma_wait3A_51] : memref<4x!tpu.dma_semaphore, #tpu.memory_space<semaphore_mem>> -> memref<1x!tpu.dma_semaphore, #tpu.memory_space<semaphore_mem>>
    %dma_wait3A_55 = tpu.memref_squeeze %dma_wait3A_54 : memref<1x!tpu.dma_semaphore, #tpu.memory_space<semaphore_mem>> -> memref<!tpu.dma_semaphore, #tpu.memory_space<semaphore_mem>>
    %dma_wait3A_56 = arith.constant 0 : i32
    %dma_wait3A_57 = tpu.memref_slice %arg5[%add3A_50, %dma_wait3A_56] : memref<524288x128xf32, #tpu.memory_space<hbm>> -> memref<256x64xf32, #tpu.memory_space<hbm>>
    tpu.wait_dma2 semaphore(%dma_wait3A_55 : memref<!tpu.dma_semaphore, #tpu.memory_space<semaphore_mem>>) src(%arg11 : memref<256x64xf32, #tpu.memory_space<vmem>>) dst(%dma_wait3A_57 : memref<256x64xf32, #tpu.memory_space<hbm>>)
    return
  }
}

module attributes {stable_mosaic.version = 14 : i64} {
  func.func @body(%arg0: i32, %arg1: memref<64x512xi32, #tpu.memory_space<vmem>>, %arg2: memref<32768xi32, #tpu.memory_space<vmem>>) attributes {dimension_semantics = [#tpu.dimension_semantics<arbitrary>], iteration_bounds = array<i64: 16>, scalar_prefetch = 0 : i64, scratch_operands = 0 : i64, tpu.core_type = #tpu.core_type<tc>, window_params = [{transform_indices = @transform_0, window_bounds = array<i64: 64, 512>}, {transform_indices = @transform_1, window_bounds = array<i64: 32768>}]} {
    %get3A = arith.constant 0 : index
    %get3A_0 = arith.constant 0 : index
    %get3A_1 = vector.load %arg1[%get3A, %get3A_0] : memref<64x512xi32, #tpu.memory_space<vmem>>, vector<64x512xi32>
    %reshape3A = vector.shape_cast %get3A_1 : vector<64x512xi32> to vector<32768xi32>
    %swap3A = arith.constant 0 : index
    %swap3A_2 = vector.load %arg2[%swap3A] : memref<32768xi32, #tpu.memory_space<vmem>>, vector<32768xi32>
    tpu.vector_store %arg2[%swap3A], %reshape3A {strides = array<i32>} : memref<32768xi32, #tpu.memory_space<vmem>>, vector<32768xi32>,
    return
  }
  func.func @transform_0(%arg0: i32) -> (i32, i32) {
    %c0_i32 = arith.constant 0 : i32
    %c0_i32_0 = arith.constant 0 : i32
    return %arg0, %c0_i32 : i32, i32
  }
  func.func @transform_1(%arg0: i32) -> i32 {
    %c0_i32 = arith.constant 0 : i32
    return %arg0 : i32
  }
}

</mosaic_0001>

<sc_bundles>
// kernel: kernel.4.cloned.1.call-start
scs
__scs_entry_jumppad:
0x0: {  	(pc) =	sbr.rel $0x88, $3  }
0x1: {  	(tag) =	ssettag $0x0;
	lr =	simm.s32 $0x1  }
0x2: {  	[smem:$0x3F9E] =	sst lr;
	_ =	strace $0xD0000000  }
0x3: {  	_ = 	snop  }
0x4: {  	_ = 	snop  }
0x5: {  	_ = 	snop  }
0x6: {  	_ = 	snop  }
0x7: {  	_ = 	snop  }
__scs_overlays_trampoline_lowered:
0x8: {  	[smem:$0x3FAD] =	sst s0  }
0x9: {  	[smem:$0x3FAE] =	sst s1  }
0xa: {  	[smem:$0x3FAF] =	sst s2  }
0xb: {  	[smem:$0x3FB0] =	sst s3  }
0xc: {  	[smem:$0x3FB1] =	sst s4  }
0xd: {  	[smem:$0x3FB2] =	sst s5  }
0xe: {  	[smem:$0x3FB3] =	sst s6  }
0xf: {  	[smem:$0x3FB4] =	sst s7  }
0x10: {  	[smem:$0x3FB5] =	sst s8  }
0x11: {  	[smem:$0x3FB6] =	sst s9;
	s0 =	simm.s32 @!p0 $0x0  }
0x12: {  	s1 =	sld [smem:$0x3F9C];
	s0 =	simm.s32 @p0 $0x1  }
0x13: {  	[smem:$0x3FB7] =	sst s0;
	s0 =	simm.s32 @!p1 $0x0  }
0x14: {  	s2 =	sld [smem:$0x3F9B];
	s0 =	simm.s32 @p1 $0x1  }
0x15: {  	[smem:$0x3FB8] =	sst s0;
	s0 =	simm.s32 @!p2 $0x0  }
0x16: {  	s3 =	sld [smem:$0x3FDB];
	s0 =	simm.s32 @p2 $0x1  }
0x17: {  	s4 =	simm.s32 $0x1BF5;
	[smem:$0x3FBA] =	sst s0  }
0x18: {  	s0 =	sld [smem:$0x3F9D];
	_ =	swait.ge [sflag:s4], $0x0  }
0x19: {  	s7 =	sld [smem:$0x3F9E]  }
0x1a: {  	s8 =	sadd.s32 $0xFFFFE003, lr  }
0x1b: {  	s9 =	sadd.s32 $0xFFFFFEF7, lr;
	s5 =	simm.s32 $0xFFFFFFFF;
	p2 =	slt.u32 s8, $0xFFFFF086  }
0x1c: {  	p1 =	slt.u32 s9, $0xF7A;
	s5 =	simm.s32 @!p2 $0x0  }
0x1d: {  	s5 =	simm.s32 @p1 $0x1;
	p0 =	seq.s32 s7, s2  }
0x1e: {  	s7 =	smul.u32 @!p0 $0xF7A, s2;
	p2 =	seq.s32 @!p0 s5, $0x0  }
0x1f: {  	s9 =	smul.u32 $0xF7A, s1;
	s8 =	simm.s32 @!p0 $0x1BF5;
	p2 =	por !p2, p0  }
0x20: {  	[sflag:s8] =	ssyncset.s32 @!p0 $0xFFFFF086;
	s6 =	sadd.s32 @!p0 s3, s7;
	s7 =	simm.s32 @!p0 $0x108  }
0x21: {  	s3 =	sadd.s32 s3, s9;
	s6 =	sadd.s32 @!p0 $0x88, s6;
	s7 =	simm.s32 @p2 $0x1082  }
0x22: {  	[simem:s7], [sflag:s8] =	dma.local @!p0 [hbm:s6], $0xF7A  }
0x23: {  	s9 =	sor.u32 $0xD0000000, s2;
	s6 =	simm.s32 $0x108;
	_ =	swait.ge @!p0 [sflag:s8], $0x0  }
0x24: {  	s3 =	sadd.s32 $0x88, s3;
	s6 =	simm.s32 @!p1 $0x1082;
	[sflag:s4] =	ssyncset.s32 $0xFFFFF086  }
0x25: {  	[simem:s6], [sflag:s4] =	dma.local [hbm:s3], $0xF7A  }
0x26: {  	[smem:$0x3F9E] =	sst s1;
	(tag) =	ssettag s2;
	_ =	strace s9  }
0x27: {  	s1 =	sld [smem:$0x3FAE]  }
0x28: {  	s2 =	sld [smem:$0x3FAF]  }
0x29: {  	s4 =	sld [smem:$0x3FB1]  }
0x2a: {  	p0 =	seq.s32 s5, $0x0;
	s5 =	sld [smem:$0x3FB2]  }
0x2b: {  	s6 =	sld [smem:$0x3FB3]  }
0x2c: {  	s7 =	sld [smem:$0x3FB4]  }
0x2d: {  	s3 =	simm.s32 $0x108;
	s8 =	sld [smem:$0x3FB5]  }
0x2e: {  	s3 =	simm.s32 @!p0 $0x1082;
	s9 =	sld [smem:$0x3FB6]  }
0x2f: {  	lr =	sadd.s32 s0, s3;
	s0 =	sld [smem:$0x3FAD]  }
0x30: {  	s3 =	sld [smem:$0x3FB0]  }
0x31: {  	[smem:$0x3FB9] =	sst s10  }
0x32: {  	s10 =	sld [smem:$0x3FB7];
	_ =	sdelay $0x3  }
0x33: {  	p0 =	seq.s32 s10, $0x1;
	s10 =	sld [smem:$0x3FB9];
	_ =	sdelay $0x3  }
0x34: {  	[smem:$0x3FB9] =	sst s10  }
0x35: {  	s10 =	sld [smem:$0x3FB8];
	_ =	sdelay $0x3  }
0x36: {  	p1 =	seq.s32 s10, $0x1;
	s10 =	sld [smem:$0x3FB9];
	_ =	sdelay $0x3  }
0x37: {  	[smem:$0x3FB9] =	sst s10  }
0x38: {  	s10 =	sld [smem:$0x3FBA]  }
0x39: {  	_ = 	snop;
	(pc) =	sbr.ind lr, $3  }
0x3a: {  	_ = 	snop  }
0x3b: {  	_ = 	snop  }
0x3c: {  	p2 =	seq.s32 s10, $0x1;
	s10 =	sld [smem:$0x3FB9]  }
0x3d: {  	_ =	shalt  }
0x3e: {  	_ =	shalt  }
0x3f: {  	_ =	shalt  }
0x40: {  	_ =	shalt  }
0x41: {  	_ =	shalt  }
0x42: {  	_ =	shalt  }
0x43: {  	_ =	shalt  }
0x44: {  	_ =	shalt  }
0x45: {  	_ =	shalt  }
0x46: {  	_ =	shalt  }
0x47: {  	_ =	shalt  }
0x48: {  	_ =	shalt  }
0x49: {  	_ =	shalt  }
0x4a: {  	_ =	shalt  }
0x4b: {  	_ =	shalt  }
0x4c: {  	_ =	shalt  }
0x4d: {  	_ =	shalt  }
0x4e: {  	_ =	shalt  }
0x4f: {  	_ =	shalt  }
0x50: {  	_ =	shalt  }
0x51: {  	_ =	shalt  }
0x52: {  	_ =	shalt  }
0x53: {  	_ =	shalt  }
0x54: {  	_ =	shalt  }
0x55: {  	_ =	shalt  }
0x56: {  	_ =	shalt  }
0x57: {  	_ =	shalt  }
0x58: {  	_ =	shalt  }
0x59: {  	_ =	shalt  }
0x5a: {  	_ =	shalt  }
0x5b: {  	_ =	shalt  }
0x5c: {  	_ =	shalt  }
0x5d: {  	_ =	shalt  }
0x5e: {  	_ =	shalt  }
0x5f: {  	_ =	shalt  }
0x60: {  	_ =	shalt  }
0x61: {  	_ =	shalt  }
0x62: {  	_ =	shalt  }
0x63: {  	_ =	shalt  }
0x64: {  	_ =	shalt  }
0x65: {  	_ =	shalt  }
0x66: {  	_ =	shalt  }
0x67: {  	_ =	shalt  }
0x68: {  	_ =	shalt  }
0x69: {  	_ =	shalt  }
0x6a: {  	_ =	shalt  }
0x6b: {  	_ =	shalt  }
0x6c: {  	_ =	shalt  }
0x6d: {  	_ =	shalt  }
0x6e: {  	_ =	shalt  }
0x6f: {  	_ =	shalt  }
0x70: {  	_ =	shalt  }
0x71: {  	_ =	shalt  }
0x72: {  	_ =	shalt  }
0x73: {  	_ =	shalt  }
0x74: {  	_ =	shalt  }
0x75: {  	_ =	shalt  }
0x76: {  	_ =	shalt  }
0x77: {  	_ =	shalt  }
0x78: {  	_ =	shalt  }
0x79: {  	_ =	shalt  }
0x7a: {  	_ =	shalt  }
0x7b: {  	_ =	shalt  }
0x7c: {  	_ =	shalt  }
0x7d: {  	_ =	shalt  }
0x7e: {  	_ =	shalt  }
0x7f: {  	_ =	shalt  }
0x80: {  	_ =	shalt  }
0x81: {  	_ =	shalt  }
0x82: {  	_ =	shalt  }
0x83: {  	_ =	shalt  }
0x84: {  	_ =	shalt  }
0x85: {  	_ =	shalt  }
0x86: {  	_ =	shalt  }
0x87: {  	_ =	shalt  }
.Lfunc_end0:
.L_simem_size_0:
called_computation.1_lowered:
.L_overlay_start_0:
0x88: {  	s2 =	sld [smem:$0x3FD9]  }
0x89: {  	s3 =	sld [smem:$0x3FFE];
	_ =	sdelay $0x1  }
0x8a: {  	s1 =	srdreg.scid  }
0x8b: {  	s0 =	sand.u32 $0x1, s1  }
0x8c: {  	s17 =	sshll.u32 s0, $0xA;
	s2 =	sadd.s32 s3, s2  }
0x8d: {  	s2 =	sadd.s32 s2, s17  }
0x8e: {  	[smem:$0x3FC5] =	sst s2  }
0x8f: {  	_ = 	snop  }
0x90: {  	s2 =	sld [smem:$0x3FD0];
	(tm) =	ssettm $0x1  }
0x91: {  	s18 =	sld [smem:$0x3FFB];
	_ =	sdelay $0x3  }
0x92: {  	_ =	strace s18  }
0x93: {  	s3 =	sld [smem:$0x3FFC];
	_ =	sdelay $0x3  }
0x94: {  	_ =	strace s3  }
0x95: {  	s3 =	sld [smem:$0x3FFD];
	_ =	sdelay $0x3  }
0x96: {  	_ =	strace s3  }
0x97: {  	_ =	strace $0x8FFFFFFF  }
0x98: {  	s19 =	sld [smem:$0x3FDB];
	_ =	sdelay $0x1  }
0x99: {  	s4 =	simm.s32 $_scs_section_size  }
0x9a: {  	s5 =	simm.s32 $_size__tile_overlayer_lowered;
	s6 =	simm.s32 $_tile_overlayer_lowered  }
0x9b: {  	s22 =	simm.s32 $0x1BFF;
	s21 =	sshll.u32 s6, $0x1;
	s3 =	sadd.s32 s4, s19  }
0x9c: {  	s7 =	simm.s32 $0x0;
	s20 =	sshll.u32 s5, $0x1;
	s5 =	sadd.s32 s21, s3  }
0x9d: {  	[timem:s7], [sflag:s22] =	dma.local [hbm:s5], s20  }
0x9e: {  	_ =	swait.ge [sflag:s22], s20  }
0x9f: {  	s4 =	ssub.s32 $0x0, s20;
	[sflag:s22] =	ssyncset.done $0x0  }
0xa0: {  	[sflag:s22] =	ssyncadd.s32 s4;
	_ =	sdelay $0x1  }
0xa1: {  	s23 =	simm.s32 $0x1B8B  }
0xa2: {  	_ =	swait.ge [sflag:s23], $0x1  }
0xa3: {  	[sflag:s23] =	ssyncset.done $0x0  }
0xa4: {  	s25 =	simm.s32 $0x1B8E;
	s24 =	sld [smem:$0x3FFE];
	[sflag:s23] =	ssyncadd.s32 $0xFFFFFFFF  }
0xa5: {  	s26 =	simm.s32 $execute0_lowered;
	[smem:$0x3FD2] =	sst s25  }
0xa6: {  	s5 =	sshll.u32 s26, $0x1;
	_ =	strace $0x80000046;
	[dreg:$0x1] =	wrdreg $0xFFFFFFFF  }
0xa7: {  	s28 =	simm.s32 $_size_execute0_lowered;
	s3 =	sadd.s32 s3, s5;
	[dreg:$0x0] =	wrdreg $0x0  }
0xa8: {  	s5 =	sshll.u32 s28, $0x1;
	[dreg:$0x2] =	wrdreg s3  }
0xa9: {  	[dreg:$0x3] =	wrdreg s5  }
0xaa: {  	[dreg:$0x4] =	wrdreg $0xC0  }
0xab: {  	_ =	task [dreg:s7], $0x5FFFF  }
0xac: {  	[dreg:$0x1] =	wrdreg $0xFFFFFFFF  }
0xad: {  	[dreg:$0x0] =	wrdreg $0x60  }
0xae: {  	[dreg:$0x2] =	wrdreg s24  }
0xaf: {  	[dreg:$0x3] =	wrdreg s2  }
0xb0: {  	[dreg:$0x4] =	wrdreg $0x9  }
0xb1: {  	_ =	task.clear_ibuf [dreg:s7], $0x5FFFF;
	_ =	strace $0x90000046  }
0xb2: {  	s29 =	simm.s32 $0x9;
	_ =	strace $0x80000048  }
0xb3: {  	_ =	swait.ge [sflag:s29], $0x1  }
0xb4: {  	[sflag:s29] =	ssyncadd.s32 $0xFFFFFFFF  }
0xb5: {  	_ =	strace $0x90000048  }
0xb6: {  	_ =	sfence  }
0xb7: {  	s30 =	sld [smem:$0x0];
	_ =	sdelay $0x2  }
0xb8: {  	s31 =	sshll.u32 s1, $0xD;
	s1 =	sshrl.u32 s1, $0x2  }
0xb9: {  	s3 =	sand.u32 $0x4000, s31;
	s1 =	sadd.s32 s1, s30  }
0xba: {  	s0 =	sor.u32 s3, s0;
	s1 =	sshll.u32 s1, $0x11  }
0xbb: {  	s0 =	sor.u32 s1, s0  }
0xbc: {  	s0 =	sadd.s32 $0x8F2B, s0  }
0xbd: {  	[sflag:s0] =	ssyncadd.remote.s32 $0x1  }
0xbe: {  	_ =	sfence.sel $0xFFFF  }
0xbf: {  	[dreg:$0x0] =	wrdreg $0xFFFFFFFF;
	(pc) =	sbr.abs _section_cstart, $3  }
0xc0: {  	[dreg:$0x1] =	wrdreg $0xFFFFFFFF  }
0xc1: {  	_ =	task.clear_ibuf [dreg:s7], $0x2FFFF;
	_ =	strace $0x9FFFFFFF  }
0xc2: {  	(tm) =	ssettm $0x7FFFFFFF  }
0xc3: {  	_ =	shalt  }
tec
execute0_lowered:
.L_overlay_start_1:
0x0: {  	(tag) =	ssettag $0x1  }
0x1: {  	s0 =	srdreg.scid  }
0x2: {  	s1 =	rddreg [dreg:$0x0];
	s2 =	stileid.u32;
	s3 =	simm.s32 $0x0  }
0x3: {  	s9 =	simm.s32 $0x40;
	s10 =	simm.s32 $0x80;
	s11 =	simm.s32 $0x4000  }
0x4: {  	s12 =	simm.s32 $0x9;
	s13 =	simm.s32 $0x100;
	s14 =	simm.s32 $0xC000  }
0x5: {  	s15 =	simm.s32 $0x10000;
	s16 =	simm.s32 $0x14000;
	s17 =	simm.s32 $0x1  }
0x6: {  	s18 =	simm.s32 $0x18000;
	s19 =	simm.s32 $0x2;
	s20 =	simm.s32 $0x3  }
0x7: {  	s21 =	simm.s32 $0x4;
	s22 =	simm.s32 $0x5;
	s23 =	simm.s32 $0x6  }
0x8: {  	s24 =	simm.s32 $0x7;
	s25 =	simm.s32 $0x8;
	s0 =	sand.u32 $0x1, s0  }
0x9: {  	s26 =	simm.s32 $0x0;
	s4 =	sshll.u32 s2, $0xF;
	s5 =	sshll.u32 s0, $0xE  }
0xa: {  	[smem:$0x7FF] =	sst s3;
	s0 =	ssub.s32 $0x2, s0;
	s5 =	sor.u32 s5, s4  }
0xb: {  	_ =	strace $0x80000047;
	s7 =	sshrl.u32 s0, $0x1;
	s4 =	sshrl.u32 s5, $0x3  }
0xc: {  	s5 =	sshll.u32 s5, $0x4;
	s0 =	ssub.s32 s0, s7;
	s6 =	sadd.s32 s4, s1  }
0xd: {  	s4 =	sadd.s32 $0x10C00, s1;
	s1 =	sadd.s32 s5, s1;
	s7 =	smax.u32 s0, $0x1  }
0xe: {  	s5 =	sadd.s32 $0xC00, s6;
	s6 =	sadd.s32 $0xD4200, s1;
	s8 =	sadd.s32 $0xD5200, s1  }
.LBB2_1:
0xf: {  	s0 =	rddreg [dreg:$0x1]  }
0x10: {  	[tilespmem:s11], [sflag:$0x9] =	stream.strided.gather [hbm4b:s0+s9], $0x8000, s10, s9, $0x38;
	[tilespmem:$0x1C000] =	vst v63  }
0x11: {  	_ =	swait.ge [sflag:s12], $0x8000  }
0x12: {  	[sflag:s12] =	ssyncset.done $0x0  }
0x13: {  	[sflag:s12] =	ssyncadd.s32 $0xFFFF8000  }
0x14: {  	[tilespmem:s3], [sflag:$0x9] =	stream.linear.gather [hbm4b:s5+s3], $0x4000, $0x38;
	[tilespmem:$0x1C000] =	vst v63  }
0x15: {  	_ =	swait.ge [sflag:s12], $0x4000  }
0x16: {  	[sflag:s12] =	ssyncset.done $0x0  }
0x17: {  	[sflag:s12] =	ssyncadd.s32 $0xFFFFC000  }
0x18: {  	[tilespmem:s14], [sflag:$0x1] =	stream.indirect.gather [hbm4b:s4+s13], $0x40, s3, s13, $0xb8;
	[tilespmem:$0x1C000] =	vst v63  }
0x19: {  	s28 =	simm.s32 $0x0  }
0x1a: {  	[tilespmem:s15], [sflag:$0x2] =	stream.indirect.gather [hbm4b:s4+s13], $0x40, s13, s13, $0xb8;
	[tilespmem:$0x1C000] =	vst v63  }
.LBB2_2:
0x1b: {  	p0 =	seq.s32 s28, $0x0  }
0x1c: {  	s30 =	sshll.u32 s28, $0x2;
	s0 =	simm.s32 @!p0 $0x7  }
0x1d: {  	s29 =	sor.u32 $0x2, s30;
	_ =	swait.ge @!p0 [sflag:s0], $0x4000  }
0x1e: {  	s1 =	sshll.u32 s29, $0x8;
	[sflag:s0] =	ssyncset.done @!p0 $0x0  }
0x1f: {  	s2 =	sand.u32 $0x3FFFFF00, s1;
	[sflag:s0] =	ssyncadd.s32 @!p0 $0xFFFFC000  }
0x20: {  	[tilespmem:s16], [sflag:$0x3] =	stream.indirect.gather [hbm4b:s4+s13], $0x40, s2, s13, $0xb8;
	[tilespmem:$0x1C000] =	vst v63  }
0x21: {  	_ =	swait.ge [sflag:s17], $0x4000  }
0x22: {  	[sflag:s17] =	ssyncset.done $0x0  }
0x23: {  	s1 =	simm.s32 $0x0;
	[sflag:s17] =	ssyncadd.s32 $0xFFFFC000  }
0x24: {  	v5 =	vld [tilespmem:s1+$0x4000]  }
0x25: {  	v6 =	vld [tilespmem:s1+$0x4010]  }
0x26: {  	v1 =	vld [tilespmem:s1+$0x4020]  }
0x27: {  	v0 =	vld [tilespmem:s1+$0x4030]  }
0x28: {  	v2 =	vld [tilespmem:s1+$0xC000]  }
0x29: {  	v4 =	vld [tilespmem:s1+$0xC010]  }
0x2a: {  	s31 =	simm.s32 $0x100;
	v3 =	vld [tilespmem:s1+$0xC020]  }
.LBB2_3:
0x2b: {  	s0 =	sshra.s32 s31, $0x2;
	p1 =	sne.s32 s31, $0xFF00;
	v7 =	vld [tilespmem:s1+$0xC030];
	v8 =	vmov v1  }
0x2c: {  	v9 =	vld [tilespmem:s0+$0x4000];
	v10 =	vmov v0  }
0x2d: {  	v11 =	vld [tilespmem:s0+$0x4010];
	v2 =	vadd.f32 v5, v2  }
.Ltmp0:
0x2e: {  	v1 =	vld [tilespmem:s0+$0x4020];
	v4 =	vadd.f32 v6, v4;
	(pc) =	sbr.rel @p1 .LBB2_3-.Ltmp0, $4  }
0x2f: {  	v0 =	vld [tilespmem:s0+$0x4030];
	[tilespmem:s1+$0xC000] =	vst v2;
	v3 =	vadd.f32 v8, v3  }
0x30: {  	v2 =	vld [tilespmem:s0+$0xC000];
	[tilespmem:s1+$0xC010] =	vst v4;
	v7 =	vadd.f32 v10, v7  }
0x31: {  	v4 =	vld [tilespmem:s0+$0xC010];
	[tilespmem:s1+$0xC020] =	vst v3;
	v5 =	vmov v9  }
0x32: {  	s31 =	sadd.s32 $0x100, s31;
	v3 =	vld [tilespmem:s0+$0xC020];
	[tilespmem:s1+$0xC030] =	vst v7;
	v6 =	vmov v11;
	s1 =	smov.u32 s0  }
0x33: {  	v7 =	vld [tilespmem:s1+$0xC030];
	_ =	sdelay $0x1  }
0x34: {  	v2 =	vadd.f32 v5, v2  }
0x35: {  	v4 =	vadd.f32 v6, v4  }
0x36: {  	[tilespmem:s1+$0xC000] =	vst v2;
	v1 =	vadd.f32 v1, v3  }
0x37: {  	[tilespmem:s1+$0xC010] =	vst v4;
	v0 =	vadd.f32 v0, v7  }
0x38: {  	s31 =	sshll.u32 s28, $0xE;
	[tilespmem:s1+$0xC020] =	vst v1  }
0x39: {  	s0 =	sadd.s32 s31, s6;
	[tilespmem:s1+$0xC030] =	vst v0  }
0x3a: {  	[hbm4b:s0+s9] =	stream.strided.scatter [tilespmem:s14], [sflag:$0x5], $0x4000, s10, s9, $0x38;
	[tilespmem:$0x1C000] =	vst v63  }
0x3b: {  	s0 =	simm.s32 @!p0 $0x8  }
0x3c: {  	s30 =	sor.u32 $0x3, s30;
	_ =	swait.ge @!p0 [sflag:s0], $0x4000  }
0x3d: {  	s2 =	sshll.u32 s30, $0x8;
	[sflag:s0] =	ssyncset.done @!p0 $0x0  }
0x3e: {  	s2 =	sand.u32 $0x3FFFFF00, s2;
	[sflag:s0] =	ssyncadd.s32 @!p0 $0xFFFFC000  }
0x3f: {  	[tilespmem:s18], [sflag:$0x4] =	stream.indirect.gather [hbm4b:s4+s13], $0x40, s2, s13, $0xb8;
	[tilespmem:$0x1C000] =	vst v63  }
0x40: {  	_ =	swait.ge [sflag:s19], $0x4000  }
0x41: {  	[sflag:s19] =	ssyncset.done $0x0  }
0x42: {  	s1 =	simm.s32 $0x0;
	[sflag:s19] =	ssyncadd.s32 $0xFFFFC000  }
0x43: {  	v5 =	vld [tilespmem:s1+$0x8000]  }
0x44: {  	v6 =	vld [tilespmem:s1+$0x8010]  }
0x45: {  	v1 =	vld [tilespmem:s1+$0x8020]  }
0x46: {  	v0 =	vld [tilespmem:s1+$0x8030]  }
0x47: {  	v2 =	vld [tilespmem:s1+$0x10000]  }
0x48: {  	v4 =	vld [tilespmem:s1+$0x10010]  }
0x49: {  	s0 =	simm.s32 $0x100;
	v3 =	vld [tilespmem:s1+$0x10020]  }
.LBB2_5:
0x4a: {  	s2 =	sshra.s32 s0, $0x2;
	p0 =	sne.s32 s0, $0xFF00;
	v7 =	vld [tilespmem:s1+$0x10030];
	v8 =	vmov v1  }
0x4b: {  	v9 =	vld [tilespmem:s2+$0x8000];
	v10 =	vmov v0  }
0x4c: {  	v11 =	vld [tilespmem:s2+$0x8010];
	v2 =	vadd.f32 v5, v2  }
.Ltmp1:
0x4d: {  	v1 =	vld [tilespmem:s2+$0x8020];
	v4 =	vadd.f32 v6, v4;
	(pc) =	sbr.rel @p0 .LBB2_5-.Ltmp1, $4  }
0x4e: {  	v0 =	vld [tilespmem:s2+$0x8030];
	[tilespmem:s1+$0x10000] =	vst v2;
	v3 =	vadd.f32 v8, v3  }
0x4f: {  	v2 =	vld [tilespmem:s2+$0x10000];
	[tilespmem:s1+$0x10010] =	vst v4;
	v7 =	vadd.f32 v10, v7  }
0x50: {  	v4 =	vld [tilespmem:s2+$0x10010];
	[tilespmem:s1+$0x10020] =	vst v3;
	v5 =	vmov v9  }
0x51: {  	s0 =	sadd.s32 $0x100, s0;
	v3 =	vld [tilespmem:s2+$0x10020];
	[tilespmem:s1+$0x10030] =	vst v7;
	v6 =	vmov v11;
	s1 =	smov.u32 s2  }
0x52: {  	v7 =	vld [tilespmem:s1+$0x10030];
	_ =	sdelay $0x1  }
0x53: {  	v2 =	vadd.f32 v5, v2  }
0x54: {  	v4 =	vadd.f32 v6, v4  }
0x55: {  	[tilespmem:s1+$0x10000] =	vst v2;
	v1 =	vadd.f32 v1, v3  }
0x56: {  	[tilespmem:s1+$0x10010] =	vst v4;
	v0 =	vadd.f32 v0, v7  }
0x57: {  	[tilespmem:s1+$0x10020] =	vst v1  }
0x58: {  	s0 =	sadd.s32 s8, s31;
	p0 =	seq.s32 s28, $0xF;
	[tilespmem:s1+$0x10030] =	vst v0  }
0x59: {  	[hbm4b:s0+s9] =	stream.strided.scatter [tilespmem:s15], [sflag:$0x6], $0x4000, s10, s9, $0x38;
	[tilespmem:$0x1C000] =	vst v63  }
0x5a: {  	s0 =	simm.s32 @!p0 $0x5  }
0x5b: {  	s1 =	sshll.u32 @!p0 s28, $0xA;
	_ =	swait.ge @!p0 [sflag:s0], $0x4000  }
0x5c: {  	s2 =	simm.s32 @!p0 $0xC000;
	s31 =	sand.u32 @!p0 $0x3FFFFC00, s1;
	[sflag:s0] =	ssyncset.done @!p0 $0x0  }
0x5d: {  	s1 =	simm.s32 @!p0 $0x100;
	[sflag:s0] =	ssyncadd.s32 @!p0 $0xFFFFC000;
	s0 =	sadd.s32 @!p0 $0x400, s31  }
0x5e: {  	[tilespmem:s2], [sflag:$0x1] =	stream.indirect.gather @!p0 [hbm4b:s4+s1], $0x40, s0, s1, $0xb8;
	[tilespmem:$0x1C000] =	vst v63  }
0x5f: {  	_ =	swait.ge [sflag:s20], $0x4000  }
0x60: {  	[sflag:s20] =	ssyncset.done $0x0  }
0x61: {  	s1 =	simm.s32 $0x0;
	[sflag:s20] =	ssyncadd.s32 $0xFFFFC000  }
0x62: {  	v5 =	vld [tilespmem:s1+$0x4000]  }
0x63: {  	v6 =	vld [tilespmem:s1+$0x4010]  }
0x64: {  	v1 =	vld [tilespmem:s1+$0x4020]  }
0x65: {  	v0 =	vld [tilespmem:s1+$0x4030]  }
0x66: {  	v2 =	vld [tilespmem:s1+$0x14000]  }
0x67: {  	v4 =	vld [tilespmem:s1+$0x14010]  }
0x68: {  	s0 =	simm.s32 $0x100;
	v3 =	vld [tilespmem:s1+$0x14020]  }
.LBB2_7:
0x69: {  	s2 =	sshra.s32 s0, $0x2;
	p1 =	sne.s32 s0, $0xFF00;
	v7 =	vld [tilespmem:s1+$0x14030];
	v8 =	vmov v1  }
0x6a: {  	v9 =	vld [tilespmem:s2+$0x4000];
	v10 =	vmov v0  }
0x6b: {  	v11 =	vld [tilespmem:s2+$0x4010];
	v2 =	vadd.f32 v5, v2  }
.Ltmp2:
0x6c: {  	v1 =	vld [tilespmem:s2+$0x4020];
	v4 =	vadd.f32 v6, v4;
	(pc) =	sbr.rel @p1 .LBB2_7-.Ltmp2, $4  }
0x6d: {  	v0 =	vld [tilespmem:s2+$0x4030];
	[tilespmem:s1+$0x14000] =	vst v2;
	v3 =	vadd.f32 v8, v3  }
0x6e: {  	v2 =	vld [tilespmem:s2+$0x14000];
	[tilespmem:s1+$0x14010] =	vst v4;
	v7 =	vadd.f32 v10, v7  }
0x6f: {  	v4 =	vld [tilespmem:s2+$0x14010];
	[tilespmem:s1+$0x14020] =	vst v3;
	v5 =	vmov v9  }
0x70: {  	s0 =	sadd.s32 $0x100, s0;
	v3 =	vld [tilespmem:s2+$0x14020];
	[tilespmem:s1+$0x14030] =	vst v7;
	v6 =	vmov v11;
	s1 =	smov.u32 s2  }
0x71: {  	v7 =	vld [tilespmem:s1+$0x14030];
	_ =	sdelay $0x1  }
0x72: {  	v2 =	vadd.f32 v5, v2  }
0x73: {  	v4 =	vadd.f32 v6, v4  }
0x74: {  	[tilespmem:s1+$0x14000] =	vst v2;
	v1 =	vadd.f32 v1, v3  }
0x75: {  	[tilespmem:s1+$0x14010] =	vst v4;
	v0 =	vadd.f32 v0, v7  }
0x76: {  	s0 =	sshll.u32 s29, $0xC;
	[tilespmem:s1+$0x14020] =	vst v1  }
0x77: {  	s0 =	sadd.s32 s0, s6;
	[tilespmem:s1+$0x14030] =	vst v0  }
0x78: {  	[hbm4b:s0+s9] =	stream.strided.scatter [tilespmem:s16], [sflag:$0x7], $0x4000, s10, s9, $0x38;
	[tilespmem:$0x1C000] =	vst v63  }
0x79: {  	s0 =	simm.s32 @!p0 $0x6  }
0x7a: {  	_ =	swait.ge @!p0 [sflag:s0], $0x4000  }
0x7b: {  	s2 =	simm.s32 @!p0 $0x10000;
	[sflag:s0] =	ssyncset.done @!p0 $0x0  }
0x7c: {  	s1 =	simm.s32 @!p0 $0x100;
	[sflag:s0] =	ssyncadd.s32 @!p0 $0xFFFFC000;
	s0 =	sadd.s32 @!p0 $0x500, s31  }
0x7d: {  	[tilespmem:s2], [sflag:$0x2] =	stream.indirect.gather @!p0 [hbm4b:s4+s1], $0x40, s0, s1, $0xb8;
	[tilespmem:$0x1C000] =	vst v63  }
0x7e: {  	_ =	swait.ge [sflag:s21], $0x4000  }
0x7f: {  	[sflag:s21] =	ssyncset.done $0x0  }
0x80: {  	s1 =	simm.s32 $0x0;
	[sflag:s21] =	ssyncadd.s32 $0xFFFFC000  }
0x81: {  	v5 =	vld [tilespmem:s1+$0x8000]  }
0x82: {  	v6 =	vld [tilespmem:s1+$0x8010]  }
0x83: {  	v1 =	vld [tilespmem:s1+$0x8020]  }
0x84: {  	v0 =	vld [tilespmem:s1+$0x8030]  }
0x85: {  	v2 =	vld [tilespmem:s1+$0x18000]  }
0x86: {  	v4 =	vld [tilespmem:s1+$0x18010]  }
0x87: {  	s0 =	simm.s32 $0x100;
	v3 =	vld [tilespmem:s1+$0x18020]  }
.LBB2_9:
0x88: {  	s2 =	sshra.s32 s0, $0x2;
	p0 =	sne.s32 s0, $0xFF00;
	v7 =	vld [tilespmem:s1+$0x18030];
	v8 =	vmov v1  }
0x89: {  	v9 =	vld [tilespmem:s2+$0x8000];
	v10 =	vmov v0  }
0x8a: {  	v11 =	vld [tilespmem:s2+$0x8010];
	v2 =	vadd.f32 v5, v2  }
.Ltmp3:
0x8b: {  	v1 =	vld [tilespmem:s2+$0x8020];
	v4 =	vadd.f32 v6, v4;
	(pc) =	sbr.rel @p0 .LBB2_9-.Ltmp3, $4  }
0x8c: {  	v0 =	vld [tilespmem:s2+$0x8030];
	[tilespmem:s1+$0x18000] =	vst v2;
	v3 =	vadd.f32 v8, v3  }
0x8d: {  	v2 =	vld [tilespmem:s2+$0x18000];
	[tilespmem:s1+$0x18010] =	vst v4;
	v7 =	vadd.f32 v10, v7  }
0x8e: {  	v4 =	vld [tilespmem:s2+$0x18010];
	[tilespmem:s1+$0x18020] =	vst v3;
	v5 =	vmov v9  }
0x8f: {  	s0 =	sadd.s32 $0x100, s0;
	v3 =	vld [tilespmem:s2+$0x18020];
	[tilespmem:s1+$0x18030] =	vst v7;
	v6 =	vmov v11;
	s1 =	smov.u32 s2  }
0x90: {  	v7 =	vld [tilespmem:s1+$0x18030];
	_ =	sdelay $0x1  }
0x91: {  	s28 =	sadd.s32 $0x1, s28;
	v2 =	vadd.f32 v5, v2  }
0x92: {  	p0 =	sne.s32 s28, $0x10;
	v4 =	vadd.f32 v6, v4  }
.Ltmp4:
0x93: {  	[tilespmem:s1+$0x18000] =	vst v2;
	v1 =	vadd.f32 v1, v3;
	(pc) =	sbr.rel @p0 .LBB2_2-.Ltmp4, $4  }
0x94: {  	[tilespmem:s1+$0x18010] =	vst v4;
	v0 =	vadd.f32 v0, v7  }
0x95: {  	s0 =	sshll.u32 s30, $0xC;
	[tilespmem:s1+$0x18020] =	vst v1  }
0x96: {  	s0 =	sadd.s32 s0, s6;
	[tilespmem:s1+$0x18030] =	vst v0  }
0x97: {  	[hbm4b:s0+s9] =	stream.strided.scatter [tilespmem:s18], [sflag:$0x8], $0x4000, s10, s9, $0x38;
	[tilespmem:$0x1C000] =	vst v63  }
0x98: {  	_ =	swait.ge [sflag:s22], $0x4000  }
0x99: {  	[sflag:s22] =	ssyncset.done $0x0  }
0x9a: {  	[sflag:s22] =	ssyncadd.s32 $0xFFFFC000  }
0x9b: {  	_ =	swait.ge [sflag:s23], $0x4000  }
0x9c: {  	[sflag:s23] =	ssyncset.done $0x0  }
0x9d: {  	s26 =	sadd.s32 $0x1, s26;
	[sflag:s23] =	ssyncadd.s32 $0xFFFFC000  }
0x9e: {  	p0 =	sne.s32 s26, s7;
	_ =	swait.ge [sflag:s24], $0x4000  }
.Ltmp5:
0x9f: {  	[sflag:s24] =	ssyncset.done $0x0;
	(pc) =	sbr.rel @p0 .LBB2_1-.Ltmp5, $4  }
0xa0: {  	[sflag:s24] =	ssyncadd.s32 $0xFFFFC000  }
0xa1: {  	_ =	swait.ge [sflag:s25], $0x4000  }
0xa2: {  	[sflag:s25] =	ssyncset.done $0x0  }
0xa3: {  	[sflag:s25] =	ssyncadd.s32 $0xFFFFC000  }
0xa4: {  	_ =	sfence.sel $0x180000  }
0xa5: {  	[bflag:$0x0] =	sbarrier.arrive $0xFFFF  }
0xa6: {  	_ =	strace $0x90000047  }
0xa7: {  	s0 =	stileid.u32;
	[bflag:$0x2] =	sbarrier.arrive $0xFFFF  }
0xa8: {  	p0 =	sne.s32 s0, $0x0;
	s0 =	rddreg [dreg:$0x2]  }
0xa9: {  	s0 =	sadd.s32 @!p0 $0x100000, s0  }
0xaa: {  	[sflag:s0] =	ssyncadd.tile.s32 @!p0 $0x1;
	_ =	shalt  }
.Lfunc_end2:
_tile_overlayer_lowered:
.L_overlay_start_2:
0xab: {  	(tag) =	ssettag $0x2  }
0xac: {  	s0 =	rddreg [dreg:$0x0];
	s2 =	stileid.u32  }
0xad: {  	s1 =	rddreg [dreg:$0x1];
	p0 =	sne.s32 s2, $0x0  }
0xae: {  	s3 =	rddreg [dreg:$0x2];
	[bflag:$0x3] =	sbarrier.arrive $0xFFFF;
	s2 =	simm.s32 @!p0 $0x1C09  }
0xaf: {  	[timem:s3], [sflag:s2] =	dma.local @!p0 [hbm:s0], s1  }
0xb0: {  	s0 =	simm.s32 @!p0 $0x9  }
0xb1: {  	_ =	swait.ge @!p0 [sflag:s0], s1  }
0xb2: {  	s1 =	ssub.s32 @!p0 $0x0, s1;
	[sflag:s0] =	ssyncset.done @!p0 $0x0  }
0xb3: {  	[sflag:s0] =	ssyncadd.s32 @!p0 s1  }
0xb4: {  	[bflag:$0x3] =	sbarrier.arrive $0xFFFF  }
0xb5: {  	_ =	shalt  }

// kernel: sparse-core-data-format-call.cloned.1.call-start
scs
called_computation_lowered:
.L_overlay_start_0:
0x0: {  	s2 =	sld [smem:$0x3FD9]  }
0x1: {  	s3 =	sld [smem:$0x3FFE];
	_ =	sdelay $0x1  }
0x2: {  	s1 =	srdreg.scid  }
0x3: {  	s0 =	sand.u32 $0x1, s1  }
0x4: {  	s18 =	sshll.u32 s0, $0xA;
	s2 =	sadd.s32 s3, s2  }
0x5: {  	s2 =	sadd.s32 s2, s18  }
0x6: {  	[smem:$0x3FC5] =	sst s2  }
0x7: {  	_ = 	snop  }
0x8: {  	s2 =	sld [smem:$0x3FD0];
	(tm) =	ssettm $0x1  }
0x9: {  	s19 =	sld [smem:$0x3FFB];
	_ =	sdelay $0x3  }
0xa: {  	_ =	strace s19  }
0xb: {  	s3 =	sld [smem:$0x3FFC];
	_ =	sdelay $0x3  }
0xc: {  	_ =	strace s3  }
0xd: {  	s3 =	sld [smem:$0x3FFD];
	_ =	sdelay $0x3  }
0xe: {  	_ =	strace s3  }
0xf: {  	_ =	strace $0x8FFFFFFF  }
0x10: {  	s20 =	sld [smem:$0x3FDB];
	_ =	sdelay $0x1  }
0x11: {  	s4 =	simm.s32 $_scs_section_size  }
0x12: {  	s5 =	simm.s32 $_size__tile_overlayer_lowered;
	s6 =	simm.s32 $_tile_overlayer_lowered  }
0x13: {  	s23 =	simm.s32 $0x1BFF;
	s22 =	sshll.u32 s6, $0x1;
	s3 =	sadd.s32 s4, s20  }
0x14: {  	s7 =	simm.s32 $0x0;
	s21 =	sshll.u32 s5, $0x1;
	s5 =	sadd.s32 s22, s3  }
0x15: {  	[timem:s7], [sflag:s23] =	dma.local [hbm:s5], s21  }
0x16: {  	_ =	swait.ge [sflag:s23], s21  }
0x17: {  	s4 =	ssub.s32 $0x0, s21;
	[sflag:s23] =	ssyncset.done $0x0  }
0x18: {  	[sflag:s23] =	ssyncadd.s32 s4;
	_ =	sdelay $0x1  }
0x19: {  	s24 =	simm.s32 $0x1B8B  }
0x1a: {  	_ =	swait.ge [sflag:s24], $0x1  }
0x1b: {  	[sflag:s24] =	ssyncset.done $0x0  }
0x1c: {  	s26 =	simm.s32 $0x1B8E;
	s25 =	sld [smem:$0x3FFE];
	[sflag:s24] =	ssyncadd.s32 $0xFFFFFFFF  }
0x1d: {  	s27 =	simm.s32 $execute0_lowered;
	[smem:$0x3FD2] =	sst s26  }
0x1e: {  	s5 =	sshll.u32 s27, $0x1;
	_ =	strace $0x80000049;
	[dreg:$0x1] =	wrdreg $0xFFFFFFFF  }
0x1f: {  	s28 =	simm.s32 $_size_execute0_lowered;
	s3 =	sadd.s32 s3, s5;
	[dreg:$0x0] =	wrdreg $0x0  }
0x20: {  	s5 =	sshll.u32 s28, $0x1;
	[dreg:$0x2] =	wrdreg s3  }
0x21: {  	[dreg:$0x3] =	wrdreg s5  }
0x22: {  	[dreg:$0x4] =	wrdreg $0xC0  }
0x23: {  	_ =	task [dreg:s7], $0x5FFFF  }
0x24: {  	[dreg:$0x1] =	wrdreg $0xFFFFFFFF  }
0x25: {  	[dreg:$0x0] =	wrdreg $0x60  }
0x26: {  	[dreg:$0x2] =	wrdreg s25  }
0x27: {  	[dreg:$0x3] =	wrdreg s2  }
0x28: {  	[dreg:$0x4] =	wrdreg $0x9  }
0x29: {  	_ =	task.clear_ibuf [dreg:s7], $0x5FFFF;
	_ =	strace $0x90000049  }
0x2a: {  	s29 =	simm.s32 $0x9;
	_ =	strace $0x8000004B  }
0x2b: {  	_ =	swait.ge [sflag:s29], $0x1  }
0x2c: {  	[sflag:s29] =	ssyncadd.s32 $0xFFFFFFFF  }
0x2d: {  	_ =	strace $0x9000004B  }
0x2e: {  	_ =	sfence  }
0x2f: {  	s30 =	sld [smem:$0x0];
	_ =	sdelay $0x2  }
0x30: {  	s31 =	sshll.u32 s1, $0xD;
	s1 =	sshrl.u32 s1, $0x2  }
0x31: {  	s3 =	sand.u32 $0x4000, s31;
	s1 =	sadd.s32 s1, s30  }
0x32: {  	s0 =	sor.u32 s3, s0;
	s1 =	sshll.u32 s1, $0x11  }
0x33: {  	s0 =	sor.u32 s1, s0  }
0x34: {  	s0 =	sadd.s32 $0x8F2B, s0  }
0x35: {  	[sflag:s0] =	ssyncadd.remote.s32 $0x1  }
0x36: {  	_ =	sfence.sel $0xFFFF  }
0x37: {  	[dreg:$0x0] =	wrdreg $0xFFFFFFFF;
	(pc) =	sbr.abs _section_cstart, $3  }
0x38: {  	[dreg:$0x1] =	wrdreg $0xFFFFFFFF  }
0x39: {  	_ =	task.clear_ibuf [dreg:s7], $0x2FFFF;
	_ =	strace $0x9FFFFFFF  }
0x3a: {  	(tm) =	ssettm $0x7FFFFFFF  }
0x3b: {  	_ =	shalt  }
tec
execute0_lowered:
.L_overlay_start_1:
0x0: {  	(tag) =	ssettag $0x1  }
0x1: {  	s0 =	srdreg.scid  }
0x2: {  	s7 =	rddreg [dreg:$0x0];
	s1 =	sshll.u32 s0, $0x4  }
0x3: {  	s3 =	rddreg [dreg:$0x1];
	s0 =	stileid.u32;
	s1 =	sand.u32 $0x10, s1  }
0x4: {  	s6 =	simm.s32 $0x1;
	s31 =	simm.s32 $0x2;
	s1 =	sor.u32 s0, s1  }
0x5: {  	s13 =	simm.s32 $0x0;
	s9 =	simm.s32 $0x1000;
	s2 =	sshll.u32 s1, $0x1  }
0x6: {  	s14 =	simm.s32 $0x0;
	s10 =	simm.s32 $0x0;
	s4 =	ssub.s32 $0x400, s2  }
0x7: {  	s12 =	simm.s32 $0x0;
	s1 =	rddreg [dreg:$0x2];
	s5 =	sand.u32 $0x3E, s4  }
.Ltmp0:
0x8: {  	_ =	strace $0x8000004A;
	p0 =	sne.s32 s5, $0x0;
	(pc) =	sbr.rel .LBB1_1-.Ltmp0, $4  }
0x9: {  	s11 =	smov.u32 s2;
	s8 =	sshrl.u32 s4, $0x6;
	s6 =	simm.s32 @!p0 $0x0  }
0xa: {  	s4 =	sadd.s32 $0xD4200, s7;
	s5 =	simm.s32 $0x1;
	s6 =	sadd.s32 s6, s8  }
0xb: {  	s7 =	sadd.s32 $0xD6200, s7;
	[sflag:s5] =	ssyncpa.u1 $0x0;
	s6 =	sshll.u32 s6, $0x2  }
0xc: {  	p0 =	por $0x0, $0x0;
	[sflag:s31] =	ssyncpa.u1 $0x0;
	s8 =	sor.u32 $0x1, s6  }
.LBB1_7:
0xd: {  	s15 =	sadd.s32 $0x80, s10  }
0xe: {  	s13 =	sadd.s32 $0x40, s11;
	s17 =	smov.u32 s11;
	p2 =	sgt.s32 s15, $0x1FF  }
0xf: {  	s17 =	smov.u32 @p2 s13  }
0x10: {  	s15 =	simm.s32 @p2 $0x0;
	p2 =	sgt.s32 s17, $0x3FF  }
0x11: {  	s17 =	smov.u32 @p2 s2;
	p2 =	sne.s32 s12, s8  }
.Ltmp1:
0x12: {  	p1 =	slt.u32 s12, $0x2;
	(pc) =	sbr.rel @!p2 .LBB1_8-.Ltmp1, $4  }
0x13: {  	s16 =	simm.s32 @!p1 $0x2  }
0x14: {  	s14 =	smov.u32 s11;
	p0 =	por !p0, !p0;
	_ =	swait.ge @!p1 [sflag:s16], $0x4000  }
0x15: {  	s13 =	smov.u32 s10;
	[sflag:s16] =	ssyncset.done @!p1 $0x0;
	s10 =	smov.u32 s15  }
0x16: {  	s12 =	sadd.s32 $0x1, s12;
	[sflag:s16] =	ssyncadd.s32 @!p1 $0xFFFFC000;
	s11 =	smov.u32 s17  }
.LBB1_1:
0x17: {  	p1 =	sge.u32 s12, s6  }
0x18: {  	s15 =	sxor.u32 @!p1 $0xFFFFFFFF, s12;
	s16 =	sshll.u32 @!p1 s11, $0xD  }
0x19: {  	s17 =	sshll.u32 @!p1 s10, $0x4;
	s19 =	simm.s32 @!p1 $0x40;
	s20 =	simm.s32 @!p1 $0x80  }
0x1a: {  	s15 =	sshll.u32 @!p1 s15, $0xE;
	s17 =	sand.u32 @!p1 $0x1FF0, s17;
	s18 =	sadd.s32 @!p1 s4, s16  }
0x1b: {  	s16 =	sadd.s32 @!p1 s16, s7;
	s15 =	sand.u32 @!p1 $0x4000, s15;
	s18 =	sadd.s32 @!p1 s17, s18  }
0x1c: {  	[tilespmem:s15], [sflag:$0x1] =	stream.strided.gather @!p1 [hbm4b:s18+s19], $0x2000, s20, s19, $0x38;
	[tilespmem:$0x10100] =	vst v63  }
0x1d: {  	s31 =	sadd.s32 $0xFFFFFFFF, s12;
	s16 =	sadd.s32 @!p1 s17, s16;
	s15 =	sor.u32 @!p1 $0x2000, s15  }
0x1e: {  	[tilespmem:s15], [sflag:$0x1] =	stream.strided.gather @!p1 [hbm4b:s16+s19], $0x2000, s20, s19, $0x38;
	[tilespmem:$0x10100] =	vst v63  }
0x1f: {  	p1 =	sge.u32 s31, s6  }
.Ltmp2:
0x20: {  	_ = 	snop;
	(pc) =	sbr.rel @p1 .LBB1_7-.Ltmp2, $1  }
0x21: {  	_ =	sdelay $0x3  }
0x22: {  	s15 =	simm.s32 $0x1;
	s17 =	sand.u32 $0x1, s12  }
0x23: {  	_ =	swait.ge [sflag:s5], $0x4000;
	s15 =	simm.s32 @!p0 $0x0;
	s17 =	smul.u32 $0x10200, s17  }
0x24: {  	p2 =	por $0x1, $0x1;
	[sflag:s5] =	ssyncset.done $0x0;
	s16 =	smul.u32 $0x10200, s15  }
0x25: {  	s18 =	sshll.u32 s15, $0x10;
	[sflag:s5] =	ssyncadd.s32 $0xFFFFC000;
	s30 =	sshrl.u32 s17, $0x2  }
0x26: {  	s31 =	sshrl.u32 s18, $0x2;
	s18 =	simm.s32 $0x0;
	s16 =	sshrl.u32 s16, $0x2  }
0x27: {  	s15 =	sor.u32 $0x8000, s30;
	s17 =	sadd.s32 $0x20, s31;
	s16 =	sor.u32 $0x8000, s16  }
.LBB1_3:
0x28: {  	s19 =	sshll.u32 s18, $0xD  }
0x29: {  	s19 =	sand.u32 $0x3FFFE000, s19  }
0x2a: {  	s21 =	sadd.s32 s19, s17  }
0x2b: {  	s31 =	smul.u32 $0x8100, s18;
	v3 =	vld [tilespmem:s21+$0x10]  }
0x2c: {  	v1 =	vld [tilespmem:s21+$0xFFFFFFF0]  }
0x2d: {  	s18 =	sshra.s32 s31, $0x2;
	v0 =	vld [tilespmem:s21+$0x0]  }
0x2e: {  	s18 =	sadd.s32 s18, s16;
	v2 =	vld [tilespmem:s21+$0xFFFFFFE0]  }
0x2f: {  	s19 =	sadd.s32 $0x0, s18  }
0x30: {  	p1 =	por p2, p2;
	s20 =	simm.s32 $0x4;
	s21 =	sadd.s32 $0x40, s21;
	[tilespmem:s19+$0x1830 ss:$0x81] =	vst.msk $0xffff, v3  }
.LBB1_4:
0x31: {  	v3 =	vld [tilespmem:s21+$0x10];
	p2 =	sne.s32 s20, $0x1FC;
	[tilespmem:s19+$0x810 ss:$0x81] =	vst.msk $0xffff, v1;
	s22 =	smov.u32 s20;
	s20 =	sadd.s32 $0x4, s20  }
.Ltmp3:
0x32: {  	v1 =	vld [tilespmem:s21+$0xFFFFFFF0];
	[tilespmem:s19+$0x1020 ss:$0x81] =	vst.msk $0xffff, v0;
	(pc) =	sbr.rel @p2 .LBB1_4-.Ltmp3, $4  }
0x33: {  	v0 =	vld [tilespmem:s21+$0x0];
	[tilespmem:s19+$0x0 ss:$0x81] =	vst.msk $0xffff, v2  }
0x34: {  	s19 =	sshra.s32 s22, $0x2;
	v2 =	vld [tilespmem:s21+$0xFFFFFFE0]  }
0x35: {  	s19 =	sadd.s32 s19, s18  }
0x36: {  	s21 =	sadd.s32 $0x40, s21;
	[tilespmem:s19+$0x1830 ss:$0x81] =	vst.msk $0xffff, v3  }
.Ltmp4:
0x37: {  	(pc) =	sbr.rel @p1 .LBB1_3-.Ltmp4, $4  }
0x38: {  	_ = 	snop  }
0x39: {  	[tilespmem:s19+$0x810 ss:$0x81] =	vst.msk $0xffff, v1  }
0x3a: {  	[tilespmem:s19+$0x1020 ss:$0x81] =	vst.msk $0xffff, v0  }
0x3b: {  	s18 =	simm.s32 $0x1;
	p2 =	por $0x0, $0x0;
	[tilespmem:s19+$0x0 ss:$0x81] =	vst.msk $0xffff, v2  }
.Ltmp5:
0x3c: {  	s16 =	sand.u32 $0xF80, s13;
	s14 =	sshll.u32 s14, $0xC;
	(pc) =	sbr.rel .LBB1_7-.Ltmp5, $4  }
0x3d: {  	s17 =	sshrl.u32 s13, $0x3;
	s31 =	sand.u32 $0x7, s13;
	s14 =	sadd.s32 s3, s14  }
0x3e: {  	s17 =	sand.u32 $0xF, s17;
	s13 =	sshll.u32 s31, $0x12;
	s14 =	sadd.s32 s16, s14  }
0x3f: {  	s13 =	sor.u32 $0x400, s13;
	s14 =	sadd.s32 s17, s14  }
0x40: {  	[hbm4b:s14+s13] =	stream.strided.scatter [tilespmem:s15], [sflag:$0x2], $0x4000, s9, s13, $0x20;
	[tilespmem:$0x10100] =	vst v63  }
.LBB1_8:
0x41: {  	_ =	sfence.sel $0x180000  }
0x42: {  	s2 =	simm.s32 $0x1;
	[bflag:$0x0] =	sbarrier.arrive $0xFFFF  }
0x43: {  	s31 =	simm.s32 $0x2;
	[sflag:s2] =	ssyncpa.u1 $0x1  }
0x44: {  	[sflag:s31] =	ssyncpa.u1 $0x1  }
0x45: {  	p0 =	sne.s32 s0, $0x0;
	_ =	strace $0x9000004A  }
0x46: {  	s0 =	sadd.s32 @!p0 $0x100000, s1;
	[bflag:$0x2] =	sbarrier.arrive $0xFFFF  }
0x47: {  	[sflag:s0] =	ssyncadd.tile.s32 @!p0 $0x1;
	_ =	shalt  }
.Lfunc_end1:
_tile_overlayer_lowered:
.L_overlay_start_2:
0x48: {  	(tag) =	ssettag $0x2  }
0x49: {  	s0 =	rddreg [dreg:$0x0];
	s2 =	stileid.u32  }
0x4a: {  	s1 =	rddreg [dreg:$0x1];
	p0 =	sne.s32 s2, $0x0  }
0x4b: {  	s3 =	rddreg [dreg:$0x2];
	[bflag:$0x3] =	sbarrier.arrive $0xFFFF;
	s2 =	simm.s32 @!p0 $0x1C01  }
0x4c: {  	[timem:s3], [sflag:s2] =	dma.local @!p0 [hbm:s0], s1  }
0x4d: {  	s0 =	simm.s32 @!p0 $0x1  }
0x4e: {  	_ =	swait.ge @!p0 [sflag:s0], s1  }
0x4f: {  	s1 =	ssub.s32 @!p0 $0x0, s1;
	[sflag:s0] =	ssyncset.done @!p0 $0x0  }
0x50: {  	[sflag:s0] =	ssyncadd.s32 @!p0 s1  }
0x51: {  	[bflag:$0x3] =	sbarrier.arrive $0xFFFF  }
0x52: {  	_ =	shalt  }

</sc_bundles>
